<compile_context>
chip_gen: v7x
topology: tpu7x:2x2x1
jax: 0.10.2.dev20260603
libtpu: 0.0.44.dev20260713+nightly
codegen_flags: <defaults>
</compile_context>

<pallas_src>
import functools

import jax
import jax.numpy as jnp
from jax import lax
from jax.experimental import pallas as pl
from jax.experimental.pallas import tpu as pltpu
from jax.experimental.pallas import tpu_sc as plsc

N = 10000
E = 320000
D = 128

NC = 2
NS = 16
NW = NC * NS
CHUNK = 128
CPT = 80
NBUF = 2
GRP = 40
NGRP = CPT // GRP
EPT = CPT * CHUNK
E_PAD = NW * EPT
N_ACC = 10240
RPT = N_ACC // NS
ACC_ROWS = N_ACC
RPT_E = ACC_ROWS // NS
DUMMY = N

_mesh = plsc.VectorSubcoreMesh(core_axis_name="c", subcore_axis_name="s")


@functools.partial(
    pl.kernel,
    out_type=jax.ShapeDtypeStruct((NC, N_ACC), jnp.float32),
    mesh=_mesh,
    scratch_types=[
        pltpu.VMEM((CPT, CHUNK), jnp.int32),
        pltpu.VMEM((CHUNK,), jnp.float32),
        pltpu.SemaphoreType.DMA,
        pltpu.VMEM_SHARED((N_ACC,), jnp.float32),
    ],
)
def _deg_kernel(dst_hbm, ones_hbm, zeros_hbm, out_hbm, idx_v, ones_v, sem, hist_sh):
    c = lax.axis_index("c")
    s = lax.axis_index("s")
    wid = c * NS + s

    pltpu.sync_copy(ones_hbm, ones_v)
    pltpu.sync_copy(zeros_hbm, hist_sh.at[pl.ds(s * RPT, RPT)])
    plsc.subcore_barrier()

    pltpu.sync_copy(dst_hbm.at[wid], idx_v)

    @pl.loop(0, CPT)
    def _(j):
        pltpu.async_copy(ones_v, hist_sh.at[idx_v.at[j]], sem, add=True)

    @pl.loop(0, CPT)
    def _(j):
        pltpu.make_async_copy(ones_v, hist_sh.at[idx_v.at[j]], sem).wait()

    plsc.subcore_barrier()
    pltpu.sync_copy(
        hist_sh.at[pl.ds(s * RPT, RPT)], out_hbm.at[c, pl.ds(s * RPT, RPT)]
    )


@functools.partial(
    pl.kernel,
    out_type=jax.ShapeDtypeStruct((NC, N_ACC, D), jnp.float32),
    mesh=_mesh,
    scratch_types=[
        pltpu.VMEM((GRP, CHUNK), jnp.int32),
        pltpu.VMEM((GRP, CHUNK), jnp.int32),
    ]
    + [pltpu.VMEM((CHUNK, D), jnp.float32) for _ in range(NBUF)]
    + [pltpu.SemaphoreType.DMA for _ in range(2 * NBUF)]
    + [pltpu.VMEM_SHARED((ACC_ROWS, D), jnp.float32)],
)
def _edge_kernel(src_hbm, dst_hbm, g_hbm, zeros_hbm, out_hbm, si_v, di_v, *rest):
    bufs = rest[:NBUF]
    gsems = rest[NBUF : 2 * NBUF]
    ssems = rest[2 * NBUF : 3 * NBUF]
    acc_sh = rest[3 * NBUF]
    c = lax.axis_index("c")
    s = lax.axis_index("s")
    wid = c * NS + s

    pltpu.sync_copy(zeros_hbm, acc_sh.at[pl.ds(s * RPT_E, RPT_E)])

    plsc.subcore_barrier()

    @pl.loop(0, NGRP)
    def _(gi):
        goff = pl.multiple_of(gi * GRP, GRP)
        pltpu.sync_copy(src_hbm.at[wid, pl.ds(goff, GRP)], si_v)
        pltpu.sync_copy(dst_hbm.at[wid, pl.ds(goff, GRP)], di_v)

        for b in range(NBUF):
            pltpu.async_copy(g_hbm.at[si_v.at[b]], bufs[b], gsems[b])

        @pl.loop(0, GRP, step=NBUF)
        def _(j):
            for b in range(NBUF):
                pltpu.make_async_copy(
                    g_hbm.at[si_v.at[j + b]], bufs[b], gsems[b]
                ).wait()
                pltpu.async_copy(
                    bufs[b], acc_sh.at[di_v.at[j + b]], ssems[b], add=True
                )

            @pl.when(j + NBUF < GRP)
            def _():
                for b in range(NBUF):
                    pltpu.make_async_copy(
                        bufs[b], acc_sh.at[di_v.at[j + b]], ssems[b]
                    ).wait()
                    pltpu.async_copy(
                        g_hbm.at[si_v.at[j + NBUF + b]], bufs[b], gsems[b]
                    )

        for b in range(NBUF):
            pltpu.make_async_copy(
                bufs[b], acc_sh.at[di_v.at[GRP - NBUF + b]], ssems[b]
            ).wait()

    plsc.subcore_barrier()
    pltpu.sync_copy(
        acc_sh.at[pl.ds(s * RPT_E, RPT_E)], out_hbm.at[c, pl.ds(s * RPT_E, RPT_E)]
    )


BLK = 1024


def _mm_body(hist_ref, x_ref, w_ref, g_ref, dinv_ref):
    deg = hist_ref[0, :] + hist_ref[1, :] + 1.0
    dinv = lax.rsqrt(deg)
    h = jnp.dot(x_ref[...], w_ref[...], preferred_element_type=jnp.float32)
    g_ref[...] = h * dinv[:, None]
    dinv_ref[...] = dinv[None, :]


def _fin_body(acc_ref, g_ref, dinv_ref, b_ref, o_ref):
    t = (acc_ref[0] + acc_ref[1] + g_ref[...]) * dinv_ref[0, :][:, None]
    t = t + b_ref[0, :][None, :]
    o_ref[...] = t * jax.nn.sigmoid(t)


@jax.jit
def kernel(x, edge_index, W, b):
    ept_real = E // NW
    padt = EPT - ept_real
    tvec = jnp.arange(NW, dtype=jnp.int32)[:, None]
    pvec = jnp.arange(padt, dtype=jnp.int32)[None, :]
    src_t = edge_index[0].reshape(NW, ept_real)
    dst_t = edge_index[1].reshape(NW, ept_real)
    src_pad = jnp.broadcast_to(N + pvec % (N_ACC - N), (NW, padt))
    src_p = jnp.concatenate([src_t, src_pad], axis=1).reshape(NW, CPT, CHUNK)
    dst_p = jnp.concatenate(
        [dst_t, (tvec * 320 + pvec) % ACC_ROWS], axis=1
    ).reshape(NW, CPT, CHUNK)
    dst_deg = jnp.concatenate(
        [dst_t, DUMMY + (tvec * 15 + pvec) % (N_ACC - N)], axis=1
    ).reshape(NW, CPT, CHUNK)

    ones1 = jnp.ones((CHUNK,), jnp.float32)
    zeros1 = jnp.zeros((RPT,), jnp.float32)
    zeros2 = jnp.zeros((RPT_E, D), jnp.float32)

    hist = _deg_kernel(dst_deg, ones1, zeros1)

    x_p = jnp.concatenate([x, jnp.zeros((N_ACC - N, D), x.dtype)], axis=0)

    g, dinv = pl.pallas_call(
        _mm_body,
        grid=(N_ACC // BLK,),
        in_specs=[
            pl.BlockSpec((2, BLK), lambda i: (0, i)),
            pl.BlockSpec((BLK, D), lambda i: (i, 0)),
            pl.BlockSpec((D, D), lambda i: (0, 0)),
        ],
        out_specs=[
            pl.BlockSpec((BLK, D), lambda i: (i, 0)),
            pl.BlockSpec((1, BLK), lambda i: (0, i)),
        ],
        out_shape=[
            jax.ShapeDtypeStruct((N_ACC, D), jnp.float32),
            jax.ShapeDtypeStruct((1, N_ACC), jnp.float32),
        ],
    )(hist, x_p, W)

    acc = _edge_kernel(src_p, dst_p, g, zeros2)

    out = pl.pallas_call(
        _fin_body,
        grid=(N_ACC // BLK,),
        in_specs=[
            pl.BlockSpec((2, BLK, D), lambda i: (0, i, 0)),
            pl.BlockSpec((BLK, D), lambda i: (i, 0)),
            pl.BlockSpec((1, BLK), lambda i: (0, i)),
            pl.BlockSpec((1, D), lambda i: (0, 0)),
        ],
        out_specs=pl.BlockSpec((BLK, D), lambda i: (i, 0)),
        out_shape=jax.ShapeDtypeStruct((N_ACC, D), jnp.float32),
    )(acc, g, dinv, b.reshape(1, D))

    return out[:N]

# --- scband reference (transcript-rebuilt; emitter-appended) ---
"""Pipeline reference for scband-narrative-graph-layer-63101659513093 (READ-ONLY COPY).

The authoritative reference and input builder live on the scoring server;
editing this copy changes nothing except your own understanding.
"""

import jax, jax.numpy as jnp
import numpy as np

N_NODES = 10000
N_EDGES = 320000
D_IN = 128
D_OUT = 128


def setup_inputs(seed: int = 0) -> dict:
    key = jax.random.key(seed)
    k1, k2, k3 = jax.random.split(key, 3)
    x = jax.random.normal(k1, (N_NODES, D_IN), dtype=jnp.float32)
    edge_index = jax.random.randint(k2, (2, N_EDGES), 0, N_NODES, dtype=jnp.int32)
    # GCNConv linear weight (PyG lin: Linear(in, out, bias=False)) and layer bias
    W = jax.random.normal(k3, (D_IN, D_OUT), dtype=jnp.float32) * (1.0 / np.sqrt(D_IN))
    b = jnp.zeros((D_OUT,), dtype=jnp.float32)
    return {"x": x, "edge_index": edge_index, "W": W, "b": b}


def reference(x, edge_index, W, b):
    # Faithful GCNConv (add_self_loops=True, normalize=True) followed by SiLU.
    N = x.shape[0]
    loop = jnp.arange(N, dtype=edge_index.dtype)
    src = jnp.concatenate([edge_index[0], loop])
    dst = jnp.concatenate([edge_index[1], loop])
    # Linear transform first (as in PyG GCNConv)
    h = x @ W
    # Symmetric normalization: deg computed over destination (col) with edge weight 1
    ones = jnp.ones(src.shape[0], dtype=h.dtype)
    deg = jax.ops.segment_sum(ones, dst, num_segments=N)
    deg_inv_sqrt = jnp.where(deg > 0, jax.lax.rsqrt(jnp.maximum(deg, 1e-12)), 0.0)
    norm = deg_inv_sqrt[src] * deg_inv_sqrt[dst]
    # Gather messages, scale, scatter-add to destination nodes
    msgs = h[src] * norm[:, None]
    out = jax.ops.segment_sum(msgs, dst, num_segments=N) + b
    return jax.nn.silu(out)

if __name__ == "__main__":
    import jax
    _d = setup_inputs()
    print(jax.jit(kernel)(*tuple(_d.values())))

</pallas_src>

<mosaic_0001>
#map = affine_map<(d0, d1) -> (0, 0, 0)>
#map1 = affine_map<(d0, d1) -> (0)>
#map2 = affine_map<(d0, d1) -> (0, 0)>
module attributes {stable_mosaic.version = 14 : i64} {
  func.func @_deg_kernel(%arg0: i32, %arg1: i32, %arg2: memref<32x80x128xi32, #tpu.memory_space<hbm>>, %arg3: memref<128xf32, #tpu.memory_space<hbm>>, %arg4: memref<640xf32, #tpu.memory_space<hbm>>, %arg5: memref<2x10240xf32, #tpu.memory_space<hbm>>, %arg6: memref<80x128xi32, #tpu.memory_space<vmem>>, %arg7: memref<128xf32, #tpu.memory_space<vmem>>, %arg8: memref<!tpu.dma_semaphore, #tpu.memory_space<semaphore_mem>>, %arg9: memref<10240xf32, #tpu.memory_space<vmem_shared>>) attributes {dimension_semantics = [#tpu.dimension_semantics<core_parallel>, #tpu.dimension_semantics<subcore_parallel>], iteration_bounds = array<i64: 2, 16>, scalar_prefetch = 0 : i64, scratch_operands = 4 : i64, tpu.core_type = #tpu.core_type<sc_vector_subcore>, window_params = [{transform_indices = #map}, {transform_indices = #map1}, {transform_indices = #map1}, {transform_indices = #map2}]} {
    %mul3A = arith.constant 16 : i32
    %mul3A_0 = arith.muli %arg0, %mul3A : i32
    %add3A = arith.addi %mul3A_0, %arg1 : i32
    "tpu.region"() ({
      %run_scoped3A = tpu.sem_alloc : memref<!tpu.dma_semaphore, #tpu.memory_space<semaphore_mem>>
      tpu.enqueue_dma source(%arg3 : memref<128xf32, #tpu.memory_space<hbm>>) target(%arg7 : memref<128xf32, #tpu.memory_space<vmem>>) target_semaphore(%run_scoped3A : memref<!tpu.dma_semaphore, #tpu.memory_space<semaphore_mem>>)
      tpu.wait_dma2 semaphore(%run_scoped3A : memref<!tpu.dma_semaphore, #tpu.memory_space<semaphore_mem>>) src(%arg3 : memref<128xf32, #tpu.memory_space<hbm>>) dst(%arg7 : memref<128xf32, #tpu.memory_space<vmem>>)
      tpu.yield
    }) : () -> ()
    %mul3A_1 = arith.constant 640 : i32
    %mul3A_2 = arith.muli %arg1, %mul3A_1 : i32
    "tpu.region"() ({
      %run_scoped3A = tpu.sem_alloc : memref<!tpu.dma_semaphore, #tpu.memory_space<semaphore_mem>>
      %dma_start3A = tpu.memref_slice %arg9[%mul3A_2] : memref<10240xf32, #tpu.memory_space<vmem_shared>> -> memref<640xf32, #tpu.memory_space<vmem_shared>>
      tpu.enqueue_dma source(%arg4 : memref<640xf32, #tpu.memory_space<hbm>>) target(%dma_start3A : memref<640xf32, #tpu.memory_space<vmem_shared>>) target_semaphore(%run_scoped3A : memref<!tpu.dma_semaphore, #tpu.memory_space<semaphore_mem>>)
      %dma_wait3A = tpu.memref_slice %arg9[%mul3A_2] : memref<10240xf32, #tpu.memory_space<vmem_shared>> -> memref<640xf32, #tpu.memory_space<vmem_shared>>
      tpu.wait_dma2 semaphore(%run_scoped3A : memref<!tpu.dma_semaphore, #tpu.memory_space<semaphore_mem>>) src(%arg4 : memref<640xf32, #tpu.memory_space<hbm>>) dst(%dma_wait3A : memref<640xf32, #tpu.memory_space<vmem_shared>>)
      tpu.yield
    }) : () -> ()
    %barrier3A = arith.constant 0 : index
    tpu.barrier barrier_id(%barrier3A)
    "tpu.region"() ({
      %run_scoped3A = tpu.sem_alloc : memref<!tpu.dma_semaphore, #tpu.memory_space<semaphore_mem>>
      %dma_start3A = arith.constant 0 : i32
      %dma_start3A_17 = arith.constant 0 : i32
      %dma_start3A_18 = tpu.memref_slice %arg2[%add3A, %dma_start3A, %dma_start3A_17] : memref<32x80x128xi32, #tpu.memory_space<hbm>> -> memref<1x80x128xi32, #tpu.memory_space<hbm>>
      %dma_start3A_19 = tpu.memref_squeeze %dma_start3A_18 : memref<1x80x128xi32, #tpu.memory_space<hbm>> -> memref<80x128xi32, #tpu.memory_space<hbm>>
      %dma_start3A_20 = arith.constant 0 : i32
      %dma_start3A_21 = arith.constant 0 : i32
      %dma_start3A_22 = tpu.memref_slice %arg2[%add3A, %dma_start3A_20, %dma_start3A_21] : memref<32x80x128xi32, #tpu.memory_space<hbm>> -> memref<1x80x128xi32, #tpu.memory_space<hbm>>
      %dma_start3A_23 = tpu.memref_squeeze %dma_start3A_22 : memref<1x80x128xi32, #tpu.memory_space<hbm>> -> memref<80x128xi32, #tpu.memory_space<hbm>>
      tpu.enqueue_dma source(%dma_start3A_23 : memref<80x128xi32, #tpu.memory_space<hbm>>) target(%arg6 : memref<80x128xi32, #tpu.memory_space<vmem>>) target_semaphore(%run_scoped3A : memref<!tpu.dma_semaphore, #tpu.memory_space<semaphore_mem>>)
      %dma_wait3A = arith.constant 0 : i32
      %dma_wait3A_24 = arith.constant 0 : i32
      %dma_wait3A_25 = tpu.memref_slice %arg2[%add3A, %dma_wait3A, %dma_wait3A_24] : memref<32x80x128xi32, #tpu.memory_space<hbm>> -> memref<1x80x128xi32, #tpu.memory_space<hbm>>
      %dma_wait3A_26 = tpu.memref_squeeze %dma_wait3A_25 : memref<1x80x128xi32, #tpu.memory_space<hbm>> -> memref<80x128xi32, #tpu.memory_space<hbm>>
      %dma_wait3A_27 = arith.constant 0 : i32
      %dma_wait3A_28 = arith.constant 0 : i32
      %dma_wait3A_29 = tpu.memref_slice %arg2[%add3A, %dma_wait3A_27, %dma_wait3A_28] : memref<32x80x128xi32, #tpu.memory_space<hbm>> -> memref<1x80x128xi32, #tpu.memory_space<hbm>>
      %dma_wait3A_30 = tpu.memref_squeeze %dma_wait3A_29 : memref<1x80x128xi32, #tpu.memory_space<hbm>> -> memref<80x128xi32, #tpu.memory_space<hbm>>
      tpu.wait_dma2 semaphore(%run_scoped3A : memref<!tpu.dma_semaphore, #tpu.memory_space<semaphore_mem>>) src(%dma_wait3A_30 : memref<80x128xi32, #tpu.memory_space<hbm>>) dst(%arg6 : memref<80x128xi32, #tpu.memory_space<vmem>>)
      tpu.yield
    }) : () -> ()
    %scan3A = arith.constant 0 : i32
    %scan3A_3 = arith.constant 80 : i32
    %scan3A_4 = arith.addi %scan3A, %scan3A_3 : i32
    %scan3A_5 = arith.constant 1 : i32
    scf.for %scan3A_17 = %scan3A to %scan3A_4 step %scan3A_5  : i32 {
      %mul3A_18 = arith.constant 1 : i32
      %mul3A_19 = arith.muli %scan3A_17, %mul3A_18 : i32
      %add3A_20 = arith.constant 0 : i32
      %add3A_21 = arith.addi %add3A_20, %mul3A_19 : i32
      %dma_start3A = arith.constant 0 : i32
      %dma_start3A_22 = tpu.memref_slice %arg6[%add3A_21, %dma_start3A] : memref<80x128xi32, #tpu.memory_space<vmem>> -> memref<1x128xi32, #tpu.memory_space<vmem>>
      %dma_start3A_23 = tpu.memref_squeeze %dma_start3A_22 : memref<1x128xi32, #tpu.memory_space<vmem>> -> memref<128xi32, #tpu.memory_space<vmem>>
      %dma_start3A_24 = arith.constant 0 : i32
      %dma_start3A_25 = tpu.memref_slice %arg9[%dma_start3A_24] : memref<10240xf32, #tpu.memory_space<vmem_shared>> -> memref<10240xf32, #tpu.memory_space<vmem_shared>>
      tpu.enqueue_indirect_dma source(%arg7 : memref<128xf32, #tpu.memory_space<vmem>>) target(%dma_start3A_25 : memref<10240xf32, #tpu.memory_space<vmem_shared>>) offsets(%dma_start3A_23 : memref<128xi32, #tpu.memory_space<vmem>>) semaphore(%arg8 : memref<!tpu.dma_semaphore, #tpu.memory_space<semaphore_mem>>) {add = true}
    }
    %scan3A_6 = arith.constant 80 : i32
    %scan3A_7 = arith.constant 0 : i32
    %scan3A_8 = arith.constant 80 : i32
    %scan3A_9 = arith.addi %scan3A_7, %scan3A_8 : i32
    %scan3A_10 = arith.constant 1 : i32
    scf.for %scan3A_17 = %scan3A_7 to %scan3A_9 step %scan3A_10  : i32 {
      %mul3A_18 = arith.constant 1 : i32
      %mul3A_19 = arith.muli %scan3A_17, %mul3A_18 : i32
      %add3A_20 = arith.constant 0 : i32
      %add3A_21 = arith.addi %add3A_20, %mul3A_19 : i32
      %dma_wait3A = arith.constant 0 : i32
      %dma_wait3A_22 = tpu.memref_slice %arg6[%add3A_21, %dma_wait3A] : memref<80x128xi32, #tpu.memory_space<vmem>> -> memref<1x128xi32, #tpu.memory_space<vmem>>
      %dma_wait3A_23 = tpu.memref_squeeze %dma_wait3A_22 : memref<1x128xi32, #tpu.memory_space<vmem>> -> memref<128xi32, #tpu.memory_space<vmem>>
      %dma_wait3A_24 = arith.constant 0 : i32
      %dma_wait3A_25 = tpu.memref_slice %arg9[%dma_wait3A_24] : memref<10240xf32, #tpu.memory_space<vmem_shared>> -> memref<10240xf32, #tpu.memory_space<vmem_shared>>
      tpu.wait_indirect_dma semaphore(%arg8 : memref<!tpu.dma_semaphore, #tpu.memory_space<semaphore_mem>>) src(%arg7 : memref<128xf32, #tpu.memory_space<vmem>>) dst(%dma_wait3A_25 : memref<10240xf32, #tpu.memory_space<vmem_shared>>)
    }
    %scan3A_11 = arith.constant 80 : i32
    %barrier3A_12 = arith.constant 0 : index
    tpu.barrier barrier_id(%barrier3A_12)
    %mul3A_13 = arith.constant 640 : i32
    %mul3A_14 = arith.muli %arg1, %mul3A_13 : i32
    %mul3A_15 = arith.constant 640 : i32
    %mul3A_16 = arith.muli %arg1, %mul3A_15 : i32
    "tpu.region"() ({
      %run_scoped3A = tpu.sem_alloc : memref<!tpu.dma_semaphore, #tpu.memory_space<semaphore_mem>>
      %dma_start3A = tpu.memref_slice %arg5[%arg0, %mul3A_16] : memref<2x10240xf32, #tpu.memory_space<hbm>> -> memref<1x640xf32, #tpu.memory_space<hbm>>
      %dma_start3A_17 = tpu.memref_squeeze %dma_start3A : memref<1x640xf32, #tpu.memory_space<hbm>> -> memref<640xf32, #tpu.memory_space<hbm>>
      %dma_start3A_18 = tpu.memref_slice %arg9[%mul3A_14] : memref<10240xf32, #tpu.memory_space<vmem_shared>> -> memref<640xf32, #tpu.memory_space<vmem_shared>>
      tpu.enqueue_dma source(%dma_start3A_18 : memref<640xf32, #tpu.memory_space<vmem_shared>>) target(%dma_start3A_17 : memref<640xf32, #tpu.memory_space<hbm>>) target_semaphore(%run_scoped3A : memref<!tpu.dma_semaphore, #tpu.memory_space<semaphore_mem>>)
      %dma_wait3A = tpu.memref_slice %arg5[%arg0, %mul3A_16] : memref<2x10240xf32, #tpu.memory_space<hbm>> -> memref<1x640xf32, #tpu.memory_space<hbm>>
      %dma_wait3A_19 = tpu.memref_squeeze %dma_wait3A : memref<1x640xf32, #tpu.memory_space<hbm>> -> memref<640xf32, #tpu.memory_space<hbm>>
      %dma_wait3A_20 = tpu.memref_slice %arg9[%mul3A_14] : memref<10240xf32, #tpu.memory_space<vmem_shared>> -> memref<640xf32, #tpu.memory_space<vmem_shared>>
      tpu.wait_dma2 semaphore(%run_scoped3A : memref<!tpu.dma_semaphore, #tpu.memory_space<semaphore_mem>>) src(%dma_wait3A_20 : memref<640xf32, #tpu.memory_space<vmem_shared>>) dst(%dma_wait3A_19 : memref<640xf32, #tpu.memory_space<hbm>>)
      tpu.yield
    }) : () -> ()
    return
  }
}

#map = affine_map<(d0, d1) -> (0, 0, 0)>
#map1 = affine_map<(d0, d1) -> (0, 0)>
module attributes {stable_mosaic.version = 14 : i64} {
  func.func @_edge_kernel(%arg0: i32, %arg1: i32, %arg2: memref<32x80x128xi32, #tpu.memory_space<hbm>>, %arg3: memref<32x80x128xi32, #tpu.memory_space<hbm>>, %arg4: memref<10240x128xf32, #tpu.memory_space<hbm>>, %arg5: memref<640x128xf32, #tpu.memory_space<hbm>>, %arg6: memref<2x10240x128xf32, #tpu.memory_space<hbm>>, %arg7: memref<40x128xi32, #tpu.memory_space<vmem>>, %arg8: memref<40x128xi32, #tpu.memory_space<vmem>>, %arg9: memref<128x128xf32, #tpu.memory_space<vmem>>, %arg10: memref<128x128xf32, #tpu.memory_space<vmem>>, %arg11: memref<!tpu.dma_semaphore, #tpu.memory_space<semaphore_mem>>, %arg12: memref<!tpu.dma_semaphore, #tpu.memory_space<semaphore_mem>>, %arg13: memref<!tpu.dma_semaphore, #tpu.memory_space<semaphore_mem>>, %arg14: memref<!tpu.dma_semaphore, #tpu.memory_space<semaphore_mem>>, %arg15: memref<10240x128xf32, #tpu.memory_space<vmem_shared>>) attributes {dimension_semantics = [#tpu.dimension_semantics<core_parallel>, #tpu.dimension_semantics<subcore_parallel>], iteration_bounds = array<i64: 2, 16>, scalar_prefetch = 0 : i64, scratch_operands = 9 : i64, tpu.core_type = #tpu.core_type<sc_vector_subcore>, window_params = [{transform_indices = #map}, {transform_indices = #map}, {transform_indices = #map1}, {transform_indices = #map1}, {transform_indices = #map}]} {
    %mul3A = arith.constant 16 : i32
    %mul3A_0 = arith.muli %arg0, %mul3A : i32
    %add3A = arith.addi %mul3A_0, %arg1 : i32
    %mul3A_1 = arith.constant 640 : i32
    %mul3A_2 = arith.muli %arg1, %mul3A_1 : i32
    "tpu.region"() ({
      %run_scoped3A = tpu.sem_alloc : memref<!tpu.dma_semaphore, #tpu.memory_space<semaphore_mem>>
      %dma_start3A = arith.constant 0 : i32
      %dma_start3A_12 = tpu.memref_slice %arg15[%mul3A_2, %dma_start3A] : memref<10240x128xf32, #tpu.memory_space<vmem_shared>> -> memref<640x128xf32, #tpu.memory_space<vmem_shared>>
      tpu.enqueue_dma source(%arg5 : memref<640x128xf32, #tpu.memory_space<hbm>>) target(%dma_start3A_12 : memref<640x128xf32, #tpu.memory_space<vmem_shared>>) target_semaphore(%run_scoped3A : memref<!tpu.dma_semaphore, #tpu.memory_space<semaphore_mem>>)
      %dma_wait3A = arith.constant 0 : i32
      %dma_wait3A_13 = tpu.memref_slice %arg15[%mul3A_2, %dma_wait3A] : memref<10240x128xf32, #tpu.memory_space<vmem_shared>> -> memref<640x128xf32, #tpu.memory_space<vmem_shared>>
      tpu.wait_dma2 semaphore(%run_scoped3A : memref<!tpu.dma_semaphore, #tpu.memory_space<semaphore_mem>>) src(%arg5 : memref<640x128xf32, #tpu.memory_space<hbm>>) dst(%dma_wait3A_13 : memref<640x128xf32, #tpu.memory_space<vmem_shared>>)
      tpu.yield
    }) : () -> ()
    %barrier3A = arith.constant 0 : index
    tpu.barrier barrier_id(%barrier3A)
    %scan3A = arith.constant 0 : i32
    %scan3A_3 = arith.constant 2 : i32
    %scan3A_4 = arith.addi %scan3A, %scan3A_3 : i32
    %scan3A_5 = arith.constant 1 : i32
    scf.for %scan3A_12 = %scan3A to %scan3A_4 step %scan3A_5  : i32 {
      %mul3A_13 = arith.constant 1 : i32
      %mul3A_14 = arith.muli %scan3A_12, %mul3A_13 : i32
      %add3A_15 = arith.constant 0 : i32
      %add3A_16 = arith.addi %add3A_15, %mul3A_14 : i32
      %mul3A_17 = arith.constant 40 : i32
      %mul3A_18 = arith.muli %add3A_16, %mul3A_17 : i32
      %multiple_of3A = tpu.assume_multiple %mul3A_18, 40 : i32
      "tpu.region"() ({
        %run_scoped3A = tpu.sem_alloc : memref<!tpu.dma_semaphore, #tpu.memory_space<semaphore_mem>>
        %dma_start3A_50 = arith.constant 0 : i32
        %dma_start3A_51 = tpu.memref_slice %arg2[%add3A, %multiple_of3A, %dma_start3A_50] : memref<32x80x128xi32, #tpu.memory_space<hbm>> -> memref<1x40x128xi32, #tpu.memory_space<hbm>>
        %dma_start3A_52 = tpu.memref_squeeze %dma_start3A_51 : memref<1x40x128xi32, #tpu.memory_space<hbm>> -> memref<40x128xi32, #tpu.memory_space<hbm>>
        %dma_start3A_53 = arith.constant 0 : i32
        %dma_start3A_54 = tpu.memref_slice %arg2[%add3A, %multiple_of3A, %dma_start3A_53] : memref<32x80x128xi32, #tpu.memory_space<hbm>> -> memref<1x40x128xi32, #tpu.memory_space<hbm>>
        %dma_start3A_55 = tpu.memref_squeeze %dma_start3A_54 : memref<1x40x128xi32, #tpu.memory_space<hbm>> -> memref<40x128xi32, #tpu.memory_space<hbm>>
        tpu.enqueue_dma source(%dma_start3A_55 : memref<40x128xi32, #tpu.memory_space<hbm>>) target(%arg7 : memref<40x128xi32, #tpu.memory_space<vmem>>) target_semaphore(%run_scoped3A : memref<!tpu.dma_semaphore, #tpu.memory_space<semaphore_mem>>)
        %dma_wait3A_56 = arith.constant 0 : i32
        %dma_wait3A_57 = tpu.memref_slice %arg2[%add3A, %multiple_of3A, %dma_wait3A_56] : memref<32x80x128xi32, #tpu.memory_space<hbm>> -> memref<1x40x128xi32, #tpu.memory_space<hbm>>
        %dma_wait3A_58 = tpu.memref_squeeze %dma_wait3A_57 : memref<1x40x128xi32, #tpu.memory_space<hbm>> -> memref<40x128xi32, #tpu.memory_space<hbm>>
        %dma_wait3A_59 = arith.constant 0 : i32
        %dma_wait3A_60 = tpu.memref_slice %arg2[%add3A, %multiple_of3A, %dma_wait3A_59] : memref<32x80x128xi32, #tpu.memory_space<hbm>> -> memref<1x40x128xi32, #tpu.memory_space<hbm>>
        %dma_wait3A_61 = tpu.memref_squeeze %dma_wait3A_60 : memref<1x40x128xi32, #tpu.memory_space<hbm>> -> memref<40x128xi32, #tpu.memory_space<hbm>>
        tpu.wait_dma2 semaphore(%run_scoped3A : memref<!tpu.dma_semaphore, #tpu.memory_space<semaphore_mem>>) src(%dma_wait3A_61 : memref<40x128xi32, #tpu.memory_space<hbm>>) dst(%arg7 : memref<40x128xi32, #tpu.memory_space<vmem>>)
        tpu.yield
      }) : () -> ()
      "tpu.region"() ({
        %run_scoped3A = tpu.sem_alloc : memref<!tpu.dma_semaphore, #tpu.memory_space<semaphore_mem>>
        %dma_start3A_50 = arith.constant 0 : i32
        %dma_start3A_51 = tpu.memref_slice %arg3[%add3A, %multiple_of3A, %dma_start3A_50] : memref<32x80x128xi32, #tpu.memory_space<hbm>> -> memref<1x40x128xi32, #tpu.memory_space<hbm>>
        %dma_start3A_52 = tpu.memref_squeeze %dma_start3A_51 : memref<1x40x128xi32, #tpu.memory_space<hbm>> -> memref<40x128xi32, #tpu.memory_space<hbm>>
        %dma_start3A_53 = arith.constant 0 : i32
        %dma_start3A_54 = tpu.memref_slice %arg3[%add3A, %multiple_of3A, %dma_start3A_53] : memref<32x80x128xi32, #tpu.memory_space<hbm>> -> memref<1x40x128xi32, #tpu.memory_space<hbm>>
        %dma_start3A_55 = tpu.memref_squeeze %dma_start3A_54 : memref<1x40x128xi32, #tpu.memory_space<hbm>> -> memref<40x128xi32, #tpu.memory_space<hbm>>
        tpu.enqueue_dma source(%dma_start3A_55 : memref<40x128xi32, #tpu.memory_space<hbm>>) target(%arg8 : memref<40x128xi32, #tpu.memory_space<vmem>>) target_semaphore(%run_scoped3A : memref<!tpu.dma_semaphore, #tpu.memory_space<semaphore_mem>>)
        %dma_wait3A_56 = arith.constant 0 : i32
        %dma_wait3A_57 = tpu.memref_slice %arg3[%add3A, %multiple_of3A, %dma_wait3A_56] : memref<32x80x128xi32, #tpu.memory_space<hbm>> -> memref<1x40x128xi32, #tpu.memory_space<hbm>>
        %dma_wait3A_58 = tpu.memref_squeeze %dma_wait3A_57 : memref<1x40x128xi32, #tpu.memory_space<hbm>> -> memref<40x128xi32, #tpu.memory_space<hbm>>
        %dma_wait3A_59 = arith.constant 0 : i32
        %dma_wait3A_60 = tpu.memref_slice %arg3[%add3A, %multiple_of3A, %dma_wait3A_59] : memref<32x80x128xi32, #tpu.memory_space<hbm>> -> memref<1x40x128xi32, #tpu.memory_space<hbm>>
        %dma_wait3A_61 = tpu.memref_squeeze %dma_wait3A_60 : memref<1x40x128xi32, #tpu.memory_space<hbm>> -> memref<40x128xi32, #tpu.memory_space<hbm>>
        tpu.wait_dma2 semaphore(%run_scoped3A : memref<!tpu.dma_semaphore, #tpu.memory_space<semaphore_mem>>) src(%dma_wait3A_61 : memref<40x128xi32, #tpu.memory_space<hbm>>) dst(%arg8 : memref<40x128xi32, #tpu.memory_space<vmem>>)
        tpu.yield
      }) : () -> ()
      %dma_start3A = arith.constant 0 : i32
      %dma_start3A_19 = arith.constant 0 : i32
      %dma_start3A_20 = tpu.memref_slice %arg7[%dma_start3A, %dma_start3A_19] : memref<40x128xi32, #tpu.memory_space<vmem>> -> memref<1x128xi32, #tpu.memory_space<vmem>>
      %dma_start3A_21 = tpu.memref_squeeze %dma_start3A_20 : memref<1x128xi32, #tpu.memory_space<vmem>> -> memref<128xi32, #tpu.memory_space<vmem>>
      %dma_start3A_22 = arith.constant 0 : i32
      %dma_start3A_23 = arith.constant 0 : i32
      %dma_start3A_24 = tpu.memref_slice %arg4[%dma_start3A_22, %dma_start3A_23] : memref<10240x128xf32, #tpu.memory_space<hbm>> -> memref<10240x128xf32, #tpu.memory_space<hbm>>
      tpu.enqueue_indirect_dma source(%dma_start3A_24 : memref<10240x128xf32, #tpu.memory_space<hbm>>) target(%arg9 : memref<128x128xf32, #tpu.memory_space<vmem>>) offsets(%dma_start3A_21 : memref<128xi32, #tpu.memory_space<vmem>>) semaphore(%arg11 : memref<!tpu.dma_semaphore, #tpu.memory_space<semaphore_mem>>)
      %dma_start3A_25 = arith.constant 1 : i32
      %dma_start3A_26 = arith.constant 0 : i32
      %dma_start3A_27 = tpu.memref_slice %arg7[%dma_start3A_25, %dma_start3A_26] : memref<40x128xi32, #tpu.memory_space<vmem>> -> memref<1x128xi32, #tpu.memory_space<vmem>>
      %dma_start3A_28 = tpu.memref_squeeze %dma_start3A_27 : memref<1x128xi32, #tpu.memory_space<vmem>> -> memref<128xi32, #tpu.memory_space<vmem>>
      %dma_start3A_29 = arith.constant 0 : i32
      %dma_start3A_30 = arith.constant 0 : i32
      %dma_start3A_31 = tpu.memref_slice %arg4[%dma_start3A_29, %dma_start3A_30] : memref<10240x128xf32, #tpu.memory_space<hbm>> -> memref<10240x128xf32, #tpu.memory_space<hbm>>
      tpu.enqueue_indirect_dma source(%dma_start3A_31 : memref<10240x128xf32, #tpu.memory_space<hbm>>) target(%arg10 : memref<128x128xf32, #tpu.memory_space<vmem>>) offsets(%dma_start3A_28 : memref<128xi32, #tpu.memory_space<vmem>>) semaphore(%arg12 : memref<!tpu.dma_semaphore, #tpu.memory_space<semaphore_mem>>)
      %scan3A_32 = arith.constant 0 : i32
      %scan3A_33 = arith.constant 20 : i32
      %scan3A_34 = arith.addi %scan3A_32, %scan3A_33 : i32
      %scan3A_35 = arith.constant 1 : i32
      scf.for %scan3A_50 = %scan3A_32 to %scan3A_34 step %scan3A_35  : i32 {
        %mul3A_51 = arith.constant 2 : i32
        %mul3A_52 = arith.muli %scan3A_50, %mul3A_51 : i32
        %add3A_53 = arith.constant 0 : i32
        %add3A_54 = arith.addi %add3A_53, %mul3A_52 : i32
        %add3A_55 = arith.constant 0 : i32
        %add3A_56 = arith.addi %add3A_54, %add3A_55 : i32
        %dma_wait3A_57 = arith.constant 0 : i32
        %dma_wait3A_58 = tpu.memref_slice %arg7[%add3A_56, %dma_wait3A_57] : memref<40x128xi32, #tpu.memory_space<vmem>> -> memref<1x128xi32, #tpu.memory_space<vmem>>
        %dma_wait3A_59 = tpu.memref_squeeze %dma_wait3A_58 : memref<1x128xi32, #tpu.memory_space<vmem>> -> memref<128xi32, #tpu.memory_space<vmem>>
        %dma_wait3A_60 = arith.constant 0 : i32
        %dma_wait3A_61 = arith.constant 0 : i32
        %dma_wait3A_62 = tpu.memref_slice %arg4[%dma_wait3A_60, %dma_wait3A_61] : memref<10240x128xf32, #tpu.memory_space<hbm>> -> memref<10240x128xf32, #tpu.memory_space<hbm>>
        tpu.wait_indirect_dma semaphore(%arg11 : memref<!tpu.dma_semaphore, #tpu.memory_space<semaphore_mem>>) src(%dma_wait3A_62 : memref<10240x128xf32, #tpu.memory_space<hbm>>) dst(%arg9 : memref<128x128xf32, #tpu.memory_space<vmem>>)
        %add3A_63 = arith.constant 0 : i32
        %add3A_64 = arith.addi %add3A_54, %add3A_63 : i32
        %dma_start3A_65 = arith.constant 0 : i32
        %dma_start3A_66 = tpu.memref_slice %arg8[%add3A_64, %dma_start3A_65] : memref<40x128xi32, #tpu.memory_space<vmem>> -> memref<1x128xi32, #tpu.memory_space<vmem>>
        %dma_start3A_67 = tpu.memref_squeeze %dma_start3A_66 : memref<1x128xi32, #tpu.memory_space<vmem>> -> memref<128xi32, #tpu.memory_space<vmem>>
        %dma_start3A_68 = arith.constant 0 : i32
        %dma_start3A_69 = arith.constant 0 : i32
        %dma_start3A_70 = tpu.memref_slice %arg15[%dma_start3A_68, %dma_start3A_69] : memref<10240x128xf32, #tpu.memory_space<vmem_shared>> -> memref<10240x128xf32, #tpu.memory_space<vmem_shared>>
        tpu.enqueue_indirect_dma source(%arg9 : memref<128x128xf32, #tpu.memory_space<vmem>>) target(%dma_start3A_70 : memref<10240x128xf32, #tpu.memory_space<vmem_shared>>) offsets(%dma_start3A_67 : memref<128xi32, #tpu.memory_space<vmem>>) semaphore(%arg13 : memref<!tpu.dma_semaphore, #tpu.memory_space<semaphore_mem>>) {add = true}
        %add3A_71 = arith.constant 1 : i32
        %add3A_72 = arith.addi %add3A_54, %add3A_71 : i32
        %dma_wait3A_73 = arith.constant 0 : i32
        %dma_wait3A_74 = tpu.memref_slice %arg7[%add3A_72, %dma_wait3A_73] : memref<40x128xi32, #tpu.memory_space<vmem>> -> memref<1x128xi32, #tpu.memory_space<vmem>>
        %dma_wait3A_75 = tpu.memref_squeeze %dma_wait3A_74 : memref<1x128xi32, #tpu.memory_space<vmem>> -> memref<128xi32, #tpu.memory_space<vmem>>
        %dma_wait3A_76 = arith.constant 0 : i32
        %dma_wait3A_77 = arith.constant 0 : i32
        %dma_wait3A_78 = tpu.memref_slice %arg4[%dma_wait3A_76, %dma_wait3A_77] : memref<10240x128xf32, #tpu.memory_space<hbm>> -> memref<10240x128xf32, #tpu.memory_space<hbm>>
        tpu.wait_indirect_dma semaphore(%arg12 : memref<!tpu.dma_semaphore, #tpu.memory_space<semaphore_mem>>) src(%dma_wait3A_78 : memref<10240x128xf32, #tpu.memory_space<hbm>>) dst(%arg10 : memref<128x128xf32, #tpu.memory_space<vmem>>)
        %add3A_79 = arith.constant 1 : i32
        %add3A_80 = arith.addi %add3A_54, %add3A_79 : i32
        %dma_start3A_81 = arith.constant 0 : i32
        %dma_start3A_82 = tpu.memref_slice %arg8[%add3A_80, %dma_start3A_81] : memref<40x128xi32, #tpu.memory_space<vmem>> -> memref<1x128xi32, #tpu.memory_space<vmem>>
        %dma_start3A_83 = tpu.memref_squeeze %dma_start3A_82 : memref<1x128xi32, #tpu.memory_space<vmem>> -> memref<128xi32, #tpu.memory_space<vmem>>
        %dma_start3A_84 = arith.constant 0 : i32
        %dma_start3A_85 = arith.constant 0 : i32
        %dma_start3A_86 = tpu.memref_slice %arg15[%dma_start3A_84, %dma_start3A_85] : memref<10240x128xf32, #tpu.memory_space<vmem_shared>> -> memref<10240x128xf32, #tpu.memory_space<vmem_shared>>
        tpu.enqueue_indirect_dma source(%arg10 : memref<128x128xf32, #tpu.memory_space<vmem>>) target(%dma_start3A_86 : memref<10240x128xf32, #tpu.memory_space<vmem_shared>>) offsets(%dma_start3A_83 : memref<128xi32, #tpu.memory_space<vmem>>) semaphore(%arg14 : memref<!tpu.dma_semaphore, #tpu.memory_space<semaphore_mem>>) {add = true}
        %add3A_87 = arith.constant 2 : i32
        %add3A_88 = arith.addi %add3A_54, %add3A_87 : i32
        %lt3A = arith.constant 40 : i32
        %lt3A_89 = arith.cmpi slt, %add3A_88, %lt3A : i32
        %convert_element_type3A = arith.extui %lt3A_89 : i1 to i32
        %cond3A = arith.constant 0 : i32
        %cond3A_90 = arith.cmpi ne, %convert_element_type3A, %cond3A : i32
        scf.if %cond3A_90 {
          %add3A_91 = arith.constant 0 : i32
          %add3A_92 = arith.addi %add3A_54, %add3A_91 : i32
          %dma_wait3A_93 = arith.constant 0 : i32
          %dma_wait3A_94 = tpu.memref_slice %arg8[%add3A_92, %dma_wait3A_93] : memref<40x128xi32, #tpu.memory_space<vmem>> -> memref<1x128xi32, #tpu.memory_space<vmem>>
          %dma_wait3A_95 = tpu.memref_squeeze %dma_wait3A_94 : memref<1x128xi32, #tpu.memory_space<vmem>> -> memref<128xi32, #tpu.memory_space<vmem>>
          %dma_wait3A_96 = arith.constant 0 : i32
          %dma_wait3A_97 = arith.constant 0 : i32
          %dma_wait3A_98 = tpu.memref_slice %arg15[%dma_wait3A_96, %dma_wait3A_97] : memref<10240x128xf32, #tpu.memory_space<vmem_shared>> -> memref<10240x128xf32, #tpu.memory_space<vmem_shared>>
          tpu.wait_indirect_dma semaphore(%arg13 : memref<!tpu.dma_semaphore, #tpu.memory_space<semaphore_mem>>) src(%arg9 : memref<128x128xf32, #tpu.memory_space<vmem>>) dst(%dma_wait3A_98 : memref<10240x128xf32, #tpu.memory_space<vmem_shared>>)
          %add3A_99 = arith.constant 2 : i32
          %add3A_100 = arith.addi %add3A_54, %add3A_99 : i32
          %add3A_101 = arith.constant 0 : i32
          %add3A_102 = arith.addi %add3A_100, %add3A_101 : i32
          %dma_start3A_103 = arith.constant 0 : i32
          %dma_start3A_104 = tpu.memref_slice %arg7[%add3A_102, %dma_start3A_103] : memref<40x128xi32, #tpu.memory_space<vmem>> -> memref<1x128xi32, #tpu.memory_space<vmem>>
          %dma_start3A_105 = tpu.memref_squeeze %dma_start3A_104 : memref<1x128xi32, #tpu.memory_space<vmem>> -> memref<128xi32, #tpu.memory_space<vmem>>
          %dma_start3A_106 = arith.constant 0 : i32
          %dma_start3A_107 = arith.constant 0 : i32
          %dma_start3A_108 = tpu.memref_slice %arg4[%dma_start3A_106, %dma_start3A_107] : memref<10240x128xf32, #tpu.memory_space<hbm>> -> memref<10240x128xf32, #tpu.memory_space<hbm>>
          tpu.enqueue_indirect_dma source(%dma_start3A_108 : memref<10240x128xf32, #tpu.memory_space<hbm>>) target(%arg9 : memref<128x128xf32, #tpu.memory_space<vmem>>) offsets(%dma_start3A_105 : memref<128xi32, #tpu.memory_space<vmem>>) semaphore(%arg11 : memref<!tpu.dma_semaphore, #tpu.memory_space<semaphore_mem>>)
          %add3A_109 = arith.constant 1 : i32
          %add3A_110 = arith.addi %add3A_54, %add3A_109 : i32
          %dma_wait3A_111 = arith.constant 0 : i32
          %dma_wait3A_112 = tpu.memref_slice %arg8[%add3A_110, %dma_wait3A_111] : memref<40x128xi32, #tpu.memory_space<vmem>> -> memref<1x128xi32, #tpu.memory_space<vmem>>
          %dma_wait3A_113 = tpu.memref_squeeze %dma_wait3A_112 : memref<1x128xi32, #tpu.memory_space<vmem>> -> memref<128xi32, #tpu.memory_space<vmem>>
          %dma_wait3A_114 = arith.constant 0 : i32
          %dma_wait3A_115 = arith.constant 0 : i32
          %dma_wait3A_116 = tpu.memref_slice %arg15[%dma_wait3A_114, %dma_wait3A_115] : memref<10240x128xf32, #tpu.memory_space<vmem_shared>> -> memref<10240x128xf32, #tpu.memory_space<vmem_shared>>
          tpu.wait_indirect_dma semaphore(%arg14 : memref<!tpu.dma_semaphore, #tpu.memory_space<semaphore_mem>>) src(%arg10 : memref<128x128xf32, #tpu.memory_space<vmem>>) dst(%dma_wait3A_116 : memref<10240x128xf32, #tpu.memory_space<vmem_shared>>)
          %add3A_117 = arith.constant 2 : i32
          %add3A_118 = arith.addi %add3A_54, %add3A_117 : i32
          %add3A_119 = arith.constant 1 : i32
          %add3A_120 = arith.addi %add3A_118, %add3A_119 : i32
          %dma_start3A_121 = arith.constant 0 : i32
          %dma_start3A_122 = tpu.memref_slice %arg7[%add3A_120, %dma_start3A_121] : memref<40x128xi32, #tpu.memory_space<vmem>> -> memref<1x128xi32, #tpu.memory_space<vmem>>
          %dma_start3A_123 = tpu.memref_squeeze %dma_start3A_122 : memref<1x128xi32, #tpu.memory_space<vmem>> -> memref<128xi32, #tpu.memory_space<vmem>>
          %dma_start3A_124 = arith.constant 0 : i32
          %dma_start3A_125 = arith.constant 0 : i32
          %dma_start3A_126 = tpu.memref_slice %arg4[%dma_start3A_124, %dma_start3A_125] : memref<10240x128xf32, #tpu.memory_space<hbm>> -> memref<10240x128xf32, #tpu.memory_space<hbm>>
          tpu.enqueue_indirect_dma source(%dma_start3A_126 : memref<10240x128xf32, #tpu.memory_space<hbm>>) target(%arg10 : memref<128x128xf32, #tpu.memory_space<vmem>>) offsets(%dma_start3A_123 : memref<128xi32, #tpu.memory_space<vmem>>) semaphore(%arg12 : memref<!tpu.dma_semaphore, #tpu.memory_space<semaphore_mem>>)
        } else {
        }
      }
      %scan3A_36 = arith.constant 20 : i32
      %dma_wait3A = arith.constant 38 : i32
      %dma_wait3A_37 = arith.constant 0 : i32
      %dma_wait3A_38 = tpu.memref_slice %arg8[%dma_wait3A, %dma_wait3A_37] : memref<40x128xi32, #tpu.memory_space<vmem>> -> memref<1x128xi32, #tpu.memory_space<vmem>>
      %dma_wait3A_39 = tpu.memref_squeeze %dma_wait3A_38 : memref<1x128xi32, #tpu.memory_space<vmem>> -> memref<128xi32, #tpu.memory_space<vmem>>
      %dma_wait3A_40 = arith.constant 0 : i32
      %dma_wait3A_41 = arith.constant 0 : i32
      %dma_wait3A_42 = tpu.memref_slice %arg15[%dma_wait3A_40, %dma_wait3A_41] : memref<10240x128xf32, #tpu.memory_space<vmem_shared>> -> memref<10240x128xf32, #tpu.memory_space<vmem_shared>>
      tpu.wait_indirect_dma semaphore(%arg13 : memref<!tpu.dma_semaphore, #tpu.memory_space<semaphore_mem>>) src(%arg9 : memref<128x128xf32, #tpu.memory_space<vmem>>) dst(%dma_wait3A_42 : memref<10240x128xf32, #tpu.memory_space<vmem_shared>>)
      %dma_wait3A_43 = arith.constant 39 : i32
      %dma_wait3A_44 = arith.constant 0 : i32
      %dma_wait3A_45 = tpu.memref_slice %arg8[%dma_wait3A_43, %dma_wait3A_44] : memref<40x128xi32, #tpu.memory_space<vmem>> -> memref<1x128xi32, #tpu.memory_space<vmem>>
      %dma_wait3A_46 = tpu.memref_squeeze %dma_wait3A_45 : memref<1x128xi32, #tpu.memory_space<vmem>> -> memref<128xi32, #tpu.memory_space<vmem>>
      %dma_wait3A_47 = arith.constant 0 : i32
      %dma_wait3A_48 = arith.constant 0 : i32
      %dma_wait3A_49 = tpu.memref_slice %arg15[%dma_wait3A_47, %dma_wait3A_48] : memref<10240x128xf32, #tpu.memory_space<vmem_shared>> -> memref<10240x128xf32, #tpu.memory_space<vmem_shared>>
      tpu.wait_indirect_dma semaphore(%arg14 : memref<!tpu.dma_semaphore, #tpu.memory_space<semaphore_mem>>) src(%arg10 : memref<128x128xf32, #tpu.memory_space<vmem>>) dst(%dma_wait3A_49 : memref<10240x128xf32, #tpu.memory_space<vmem_shared>>)
    }
    %scan3A_6 = arith.constant 2 : i32
    %barrier3A_7 = arith.constant 0 : index
    tpu.barrier barrier_id(%barrier3A_7)
    %mul3A_8 = arith.constant 640 : i32
    %mul3A_9 = arith.muli %arg1, %mul3A_8 : i32
    %mul3A_10 = arith.constant 640 : i32
    %mul3A_11 = arith.muli %arg1, %mul3A_10 : i32
    "tpu.region"() ({
      %run_scoped3A = tpu.sem_alloc : memref<!tpu.dma_semaphore, #tpu.memory_space<semaphore_mem>>
      %dma_start3A = arith.constant 0 : i32
      %dma_start3A_12 = tpu.memref_slice %arg6[%arg0, %mul3A_11, %dma_start3A] : memref<2x10240x128xf32, #tpu.memory_space<hbm>> -> memref<1x640x128xf32, #tpu.memory_space<hbm>>
      %dma_start3A_13 = tpu.memref_squeeze %dma_start3A_12 : memref<1x640x128xf32, #tpu.memory_space<hbm>> -> memref<640x128xf32, #tpu.memory_space<hbm>>
      %dma_start3A_14 = arith.constant 0 : i32
      %dma_start3A_15 = tpu.memref_slice %arg15[%mul3A_9, %dma_start3A_14] : memref<10240x128xf32, #tpu.memory_space<vmem_shared>> -> memref<640x128xf32, #tpu.memory_space<vmem_shared>>
      tpu.enqueue_dma source(%dma_start3A_15 : memref<640x128xf32, #tpu.memory_space<vmem_shared>>) target(%dma_start3A_13 : memref<640x128xf32, #tpu.memory_space<hbm>>) target_semaphore(%run_scoped3A : memref<!tpu.dma_semaphore, #tpu.memory_space<semaphore_mem>>)
      %dma_wait3A = arith.constant 0 : i32
      %dma_wait3A_16 = tpu.memref_slice %arg6[%arg0, %mul3A_11, %dma_wait3A] : memref<2x10240x128xf32, #tpu.memory_space<hbm>> -> memref<1x640x128xf32, #tpu.memory_space<hbm>>
      %dma_wait3A_17 = tpu.memref_squeeze %dma_wait3A_16 : memref<1x640x128xf32, #tpu.memory_space<hbm>> -> memref<640x128xf32, #tpu.memory_space<hbm>>
      %dma_wait3A_18 = arith.constant 0 : i32
      %dma_wait3A_19 = tpu.memref_slice %arg15[%mul3A_9, %dma_wait3A_18] : memref<10240x128xf32, #tpu.memory_space<vmem_shared>> -> memref<640x128xf32, #tpu.memory_space<vmem_shared>>
      tpu.wait_dma2 semaphore(%run_scoped3A : memref<!tpu.dma_semaphore, #tpu.memory_space<semaphore_mem>>) src(%dma_wait3A_19 : memref<640x128xf32, #tpu.memory_space<vmem_shared>>) dst(%dma_wait3A_17 : memref<640x128xf32, #tpu.memory_space<hbm>>)
      tpu.yield
    }) : () -> ()
    return
  }
}

module attributes {stable_mosaic.version = 14 : i64} {
  func.func @_mm_body(%arg0: i32, %arg1: memref<2x1024xf32, #tpu.memory_space<vmem>>, %arg2: memref<1024x128xf32, #tpu.memory_space<vmem>>, %arg3: memref<128x128xf32, #tpu.memory_space<vmem>>, %arg4: memref<1024x128xf32, #tpu.memory_space<vmem>>, %arg5: memref<1x1024xf32, #tpu.memory_space<vmem>>) attributes {dimension_semantics = [#tpu.dimension_semantics<arbitrary>], iteration_bounds = array<i64: 10>, scalar_prefetch = 0 : i64, scratch_operands = 0 : i64, tpu.core_type = #tpu.core_type<tc>, window_params = [{transform_indices = @transform_0, window_bounds = array<i64: 2, 1024>}, {transform_indices = @transform_1, window_bounds = array<i64: 1024, 128>}, {pipeline_mode = #tpu.pipeline_mode<synchronous>, transform_indices = @transform_2, window_bounds = array<i64: 128, 128>}, {transform_indices = @transform_3, window_bounds = array<i64: 1024, 128>}, {transform_indices = @transform_4, window_bounds = array<i64: 1, 1024>}]} {
    %get3A = arith.constant 0 : index
    %get3A_0 = arith.constant 0 : index
    %get3A_1 = vector.load %arg1[%get3A, %get3A_0] : memref<2x1024xf32, #tpu.memory_space<vmem>>, vector<1x1024xf32>
    %get3A_2 = vector.shape_cast %get3A_1 : vector<1x1024xf32> to vector<1024xf32>
    %get3A_3 = arith.constant 1 : index
    %get3A_4 = arith.constant 0 : index
    %get3A_5 = vector.load %arg1[%get3A_3, %get3A_4] : memref<2x1024xf32, #tpu.memory_space<vmem>>, vector<1x1024xf32>
    %get3A_6 = vector.shape_cast %get3A_5 : vector<1x1024xf32> to vector<1024xf32>
    %add3A = arith.addf %get3A_2, %get3A_6 : vector<1024xf32>
    %add3A_7 = arith.constant 1.000000e+00 : f32
    %add3A_8 = vector.broadcast %add3A_7 : f32 to vector<1024xf32>
    %add3A_9 = arith.addf %add3A, %add3A_8 : vector<1024xf32>
    %rsqrt3A = math.rsqrt %add3A_9 : vector<1024xf32>
    %get3A_10 = arith.constant 0 : index
    %get3A_11 = arith.constant 0 : index
    %get3A_12 = vector.load %arg2[%get3A_10, %get3A_11] : memref<1024x128xf32, #tpu.memory_space<vmem>>, vector<1024x128xf32>
    %get3A_13 = arith.constant 0 : index
    %get3A_14 = arith.constant 0 : index
    %get3A_15 = vector.load %arg3[%get3A_13, %get3A_14] : memref<128x128xf32, #tpu.memory_space<vmem>>, vector<128x128xf32>
    %dot_general3A = arith.constant dense<0.000000e+00> : vector<1024x128xf32>
    %dot_general3A_16 = tpu.matmul %get3A_12, %get3A_15, %dot_general3A {dimension_numbers = #tpu.dot_dimension_numbers<[1], [0], [0], [1], [0, 0, 1, 1], [], []>, transpose_lhs_hint = false} : vector<1024x128xf32>, vector<128x128xf32>, vector<1024x128xf32> -> vector<1024x128xf32>
    %broadcast_in_dim3A = vector.shape_cast %rsqrt3A : vector<1024xf32> to vector<1024x1xf32>
    %mul3A = vector.broadcast %broadcast_in_dim3A : vector<1024x1xf32> to vector<1024x128xf32>
    %mul3A_17 = arith.mulf %dot_general3A_16, %mul3A : vector<1024x128xf32>
    %swap3A = arith.constant 0 : index
    %swap3A_18 = arith.constant 0 : index
    %swap3A_19 = vector.load %arg4[%swap3A, %swap3A_18] : memref<1024x128xf32, #tpu.memory_space<vmem>>, vector<1024x128xf32>
    tpu.vector_store %arg4[%swap3A, %swap3A_18], %mul3A_17 {strides = array<i32>} : memref<1024x128xf32, #tpu.memory_space<vmem>>, vector<1024x128xf32>,
    %broadcast_in_dim3A_20 = vector.shape_cast %rsqrt3A : vector<1024xf32> to vector<1x1024xf32>
    %swap3A_21 = arith.constant 0 : index
    %swap3A_22 = arith.constant 0 : index
    %swap3A_23 = vector.load %arg5[%swap3A_21, %swap3A_22] : memref<1x1024xf32, #tpu.memory_space<vmem>>, vector<1x1024xf32>
    tpu.vector_store %arg5[%swap3A_21, %swap3A_22], %broadcast_in_dim3A_20 {strides = array<i32>} : memref<1x1024xf32, #tpu.memory_space<vmem>>, vector<1x1024xf32>,
    return
  }
  func.func @transform_0(%arg0: i32) -> (i32, i32) {
    %c0_i32 = arith.constant 0 : i32
    %c0_i32_0 = arith.constant 0 : i32
    return %c0_i32, %arg0 : i32, i32
  }
  func.func @transform_1(%arg0: i32) -> (i32, i32) {
    %c0_i32 = arith.constant 0 : i32
    %c0_i32_0 = arith.constant 0 : i32
    return %arg0, %c0_i32 : i32, i32
  }
  func.func @transform_2(%arg0: i32) -> (i32, i32) {
    %c0_i32 = arith.constant 0 : i32
    %c0_i32_0 = arith.constant 0 : i32
    %c0_i32_1 = arith.constant 0 : i32
    return %c0_i32, %c0_i32_0 : i32, i32
  }
  func.func @transform_3(%arg0: i32) -> (i32, i32) {
    %c0_i32 = arith.constant 0 : i32
    %c0_i32_0 = arith.constant 0 : i32
    return %arg0, %c0_i32 : i32, i32
  }
  func.func @transform_4(%arg0: i32) -> (i32, i32) {
    %c0_i32 = arith.constant 0 : i32
    %c0_i32_0 = arith.constant 0 : i32
    return %c0_i32, %arg0 : i32, i32
  }
}

module attributes {stable_mosaic.version = 14 : i64} {
  func.func @_fin_body(%arg0: i32, %arg1: memref<2x1024x128xf32, #tpu.memory_space<vmem>>, %arg2: memref<1024x128xf32, #tpu.memory_space<vmem>>, %arg3: memref<1x1024xf32, #tpu.memory_space<vmem>>, %arg4: memref<1x128xf32, #tpu.memory_space<vmem>>, %arg5: memref<1024x128xf32, #tpu.memory_space<vmem>>) attributes {dimension_semantics = [#tpu.dimension_semantics<arbitrary>], iteration_bounds = array<i64: 10>, scalar_prefetch = 0 : i64, scratch_operands = 0 : i64, tpu.core_type = #tpu.core_type<tc>, window_params = [{transform_indices = @transform_0, window_bounds = array<i64: 2, 1024, 128>}, {transform_indices = @transform_1, window_bounds = array<i64: 1024, 128>}, {transform_indices = @transform_2, window_bounds = array<i64: 1, 1024>}, {pipeline_mode = #tpu.pipeline_mode<synchronous>, transform_indices = @transform_3, window_bounds = array<i64: 1, 128>}, {transform_indices = @transform_4, window_bounds = array<i64: 1024, 128>}]} {
    %get3A = arith.constant 0 : index
    %get3A_0 = arith.constant 0 : index
    %get3A_1 = arith.constant 0 : index
    %get3A_2 = vector.load %arg1[%get3A, %get3A_0, %get3A_1] : memref<2x1024x128xf32, #tpu.memory_space<vmem>>, vector<1x1024x128xf32>
    %get3A_3 = vector.shape_cast %get3A_2 : vector<1x1024x128xf32> to vector<1024x128xf32>
    %get3A_4 = arith.constant 1 : index
    %get3A_5 = arith.constant 0 : index
    %get3A_6 = arith.constant 0 : index
    %get3A_7 = vector.load %arg1[%get3A_4, %get3A_5, %get3A_6] : memref<2x1024x128xf32, #tpu.memory_space<vmem>>, vector<1x1024x128xf32>
    %get3A_8 = vector.shape_cast %get3A_7 : vector<1x1024x128xf32> to vector<1024x128xf32>
    %add3A = arith.addf %get3A_3, %get3A_8 : vector<1024x128xf32>
    %get3A_9 = arith.constant 0 : index
    %get3A_10 = arith.constant 0 : index
    %get3A_11 = vector.load %arg2[%get3A_9, %get3A_10] : memref<1024x128xf32, #tpu.memory_space<vmem>>, vector<1024x128xf32>
    %add3A_12 = arith.addf %add3A, %get3A_11 : vector<1024x128xf32>
    %get3A_13 = arith.constant 0 : index
    %get3A_14 = arith.constant 0 : index
    %get3A_15 = vector.load %arg3[%get3A_13, %get3A_14] : memref<1x1024xf32, #tpu.memory_space<vmem>>, vector<1x1024xf32>
    %get3A_16 = vector.shape_cast %get3A_15 : vector<1x1024xf32> to vector<1024xf32>
    %broadcast_in_dim3A = vector.shape_cast %get3A_16 : vector<1024xf32> to vector<1024x1xf32>
    %mul3A = vector.broadcast %broadcast_in_dim3A : vector<1024x1xf32> to vector<1024x128xf32>
    %mul3A_17 = arith.mulf %add3A_12, %mul3A : vector<1024x128xf32>
    %get3A_18 = arith.constant 0 : index
    %get3A_19 = arith.constant 0 : index
    %get3A_20 = vector.load %arg4[%get3A_18, %get3A_19] : memref<1x128xf32, #tpu.memory_space<vmem>>, vector<1x128xf32>
    %get3A_21 = vector.shape_cast %get3A_20 : vector<1x128xf32> to vector<128xf32>
    %broadcast_in_dim3A_22 = vector.shape_cast %get3A_21 : vector<128xf32> to vector<1x128xf32>
    %add3A_23 = vector.broadcast %broadcast_in_dim3A_22 : vector<1x128xf32> to vector<1024x128xf32>
    %add3A_24 = arith.addf %mul3A_17, %add3A_23 : vector<1024x128xf32>
    %logistic3A = arith.negf %add3A_24 : vector<1024x128xf32>
    %logistic3A_25 = math.exp %logistic3A : vector<1024x128xf32>
    %logistic3A_26 = arith.constant 1.000000e+00 : f32
    %logistic3A_27 = vector.broadcast %logistic3A_26 : f32 to vector<1024x128xf32>
    %logistic3A_28 = arith.addf %logistic3A_27, %logistic3A_25 : vector<1024x128xf32>
    %logistic3A_29 = arith.divf %logistic3A_27, %logistic3A_28 : vector<1024x128xf32>
    %mul3A_30 = arith.mulf %add3A_24, %logistic3A_29 : vector<1024x128xf32>
    %swap3A = arith.constant 0 : index
    %swap3A_31 = arith.constant 0 : index
    %swap3A_32 = vector.load %arg5[%swap3A, %swap3A_31] : memref<1024x128xf32, #tpu.memory_space<vmem>>, vector<1024x128xf32>
    tpu.vector_store %arg5[%swap3A, %swap3A_31], %mul3A_30 {strides = array<i32>} : memref<1024x128xf32, #tpu.memory_space<vmem>>, vector<1024x128xf32>,
    return
  }
  func.func @transform_0(%arg0: i32) -> (i32, i32, i32) {
    %c0_i32 = arith.constant 0 : i32
    %c0_i32_0 = arith.constant 0 : i32
    %c0_i32_1 = arith.constant 0 : i32
    return %c0_i32, %arg0, %c0_i32_0 : i32, i32, i32
  }
  func.func @transform_1(%arg0: i32) -> (i32, i32) {
    %c0_i32 = arith.constant 0 : i32
    %c0_i32_0 = arith.constant 0 : i32
    return %arg0, %c0_i32 : i32, i32
  }
  func.func @transform_2(%arg0: i32) -> (i32, i32) {
    %c0_i32 = arith.constant 0 : i32
    %c0_i32_0 = arith.constant 0 : i32
    return %c0_i32, %arg0 : i32, i32
  }
  func.func @transform_3(%arg0: i32) -> (i32, i32) {
    %c0_i32 = arith.constant 0 : i32
    %c0_i32_0 = arith.constant 0 : i32
    %c0_i32_1 = arith.constant 0 : i32
    return %c0_i32, %c0_i32_0 : i32, i32
  }
  func.func @transform_4(%arg0: i32) -> (i32, i32) {
    %c0_i32 = arith.constant 0 : i32
    %c0_i32_0 = arith.constant 0 : i32
    return %arg0, %c0_i32 : i32, i32
  }
}

</mosaic_0001>

<sc_bundles>
// kernel: kernel.6.cloned.1.call-start
scs
__scs_entry_jumppad:
0x0: {  	(pc) =	sbr.rel $0x88, $3  }
0x1: {  	(tag) =	ssettag $0x0;
	lr =	simm.s32 $0x1  }
0x2: {  	[smem:$0x3F9D] =	sst lr;
	_ =	strace $0xD0000000  }
0x3: {  	_ = 	snop  }
0x4: {  	_ = 	snop  }
0x5: {  	_ = 	snop  }
0x6: {  	_ = 	snop  }
0x7: {  	_ = 	snop  }
__scs_overlays_trampoline_lowered:
0x8: {  	[smem:$0x3FAC] =	sst s0  }
0x9: {  	[smem:$0x3FAD] =	sst s1  }
0xa: {  	[smem:$0x3FAE] =	sst s2  }
0xb: {  	[smem:$0x3FAF] =	sst s3  }
0xc: {  	[smem:$0x3FB0] =	sst s4  }
0xd: {  	[smem:$0x3FB1] =	sst s5  }
0xe: {  	[smem:$0x3FB2] =	sst s6  }
0xf: {  	[smem:$0x3FB3] =	sst s7  }
0x10: {  	[smem:$0x3FB4] =	sst s8  }
0x11: {  	[smem:$0x3FB5] =	sst s9;
	s0 =	simm.s32 @!p0 $0x0  }
0x12: {  	s1 =	sld [smem:$0x3F9B];
	s0 =	simm.s32 @p0 $0x1  }
0x13: {  	[smem:$0x3FB6] =	sst s0;
	s0 =	simm.s32 @!p1 $0x0  }
0x14: {  	s2 =	sld [smem:$0x3F9A];
	s0 =	simm.s32 @p1 $0x1  }
0x15: {  	[smem:$0x3FB7] =	sst s0;
	s0 =	simm.s32 @!p2 $0x0  }
0x16: {  	s3 =	sld [smem:$0x3FDB];
	s0 =	simm.s32 @p2 $0x1  }
0x17: {  	s4 =	simm.s32 $0x1BF5;
	[smem:$0x3FB9] =	sst s0  }
0x18: {  	s0 =	sld [smem:$0x3F9C];
	_ =	swait.ge [sflag:s4], $0x0  }
0x19: {  	s7 =	sld [smem:$0x3F9D]  }
0x1a: {  	s8 =	sadd.s32 $0xFFFFE003, lr  }
0x1b: {  	s9 =	sadd.s32 $0xFFFFFEF7, lr;
	s5 =	simm.s32 $0xFFFFFFFF;
	p2 =	slt.u32 s8, $0xFFFFF086  }
0x1c: {  	p1 =	slt.u32 s9, $0xF7A;
	s5 =	simm.s32 @!p2 $0x0  }
0x1d: {  	s5 =	simm.s32 @p1 $0x1;
	p0 =	seq.s32 s7, s2  }
0x1e: {  	s7 =	smul.u32 @!p0 $0xF7A, s2;
	p2 =	seq.s32 @!p0 s5, $0x0  }
0x1f: {  	s9 =	smul.u32 $0xF7A, s1;
	s8 =	simm.s32 @!p0 $0x1BF5;
	p2 =	por !p2, p0  }
0x20: {  	[sflag:s8] =	ssyncset.s32 @!p0 $0xFFFFF086;
	s6 =	sadd.s32 @!p0 s3, s7;
	s7 =	simm.s32 @!p0 $0x108  }
0x21: {  	s3 =	sadd.s32 s3, s9;
	s6 =	sadd.s32 @!p0 $0x88, s6;
	s7 =	simm.s32 @p2 $0x1082  }
0x22: {  	[simem:s7], [sflag:s8] =	dma.local @!p0 [hbm:s6], $0xF7A  }
0x23: {  	s9 =	sor.u32 $0xD0000000, s2;
	s6 =	simm.s32 $0x108;
	_ =	swait.ge @!p0 [sflag:s8], $0x0  }
0x24: {  	s3 =	sadd.s32 $0x88, s3;
	s6 =	simm.s32 @!p1 $0x1082;
	[sflag:s4] =	ssyncset.s32 $0xFFFFF086  }
0x25: {  	[simem:s6], [sflag:s4] =	dma.local [hbm:s3], $0xF7A  }
0x26: {  	[smem:$0x3F9D] =	sst s1;
	(tag) =	ssettag s2;
	_ =	strace s9  }
0x27: {  	s1 =	sld [smem:$0x3FAD]  }
0x28: {  	s2 =	sld [smem:$0x3FAE]  }
0x29: {  	s4 =	sld [smem:$0x3FB0]  }
0x2a: {  	p0 =	seq.s32 s5, $0x0;
	s5 =	sld [smem:$0x3FB1]  }
0x2b: {  	s6 =	sld [smem:$0x3FB2]  }
0x2c: {  	s7 =	sld [smem:$0x3FB3]  }
0x2d: {  	s3 =	simm.s32 $0x108;
	s8 =	sld [smem:$0x3FB4]  }
0x2e: {  	s3 =	simm.s32 @!p0 $0x1082;
	s9 =	sld [smem:$0x3FB5]  }
0x2f: {  	lr =	sadd.s32 s0, s3;
	s0 =	sld [smem:$0x3FAC]  }
0x30: {  	s3 =	sld [smem:$0x3FAF]  }
0x31: {  	[smem:$0x3FB8] =	sst s10  }
0x32: {  	s10 =	sld [smem:$0x3FB6];
	_ =	sdelay $0x3  }
0x33: {  	p0 =	seq.s32 s10, $0x1;
	s10 =	sld [smem:$0x3FB8];
	_ =	sdelay $0x3  }
0x34: {  	[smem:$0x3FB8] =	sst s10  }
0x35: {  	s10 =	sld [smem:$0x3FB7];
	_ =	sdelay $0x3  }
0x36: {  	p1 =	seq.s32 s10, $0x1;
	s10 =	sld [smem:$0x3FB8];
	_ =	sdelay $0x3  }
0x37: {  	[smem:$0x3FB8] =	sst s10  }
0x38: {  	s10 =	sld [smem:$0x3FB9]  }
0x39: {  	_ = 	snop;
	(pc) =	sbr.ind lr, $3  }
0x3a: {  	_ = 	snop  }
0x3b: {  	_ = 	snop  }
0x3c: {  	p2 =	seq.s32 s10, $0x1;
	s10 =	sld [smem:$0x3FB8]  }
0x3d: {  	_ =	shalt  }
0x3e: {  	_ =	shalt  }
0x3f: {  	_ =	shalt  }
0x40: {  	_ =	shalt  }
0x41: {  	_ =	shalt  }
0x42: {  	_ =	shalt  }
0x43: {  	_ =	shalt  }
0x44: {  	_ =	shalt  }
0x45: {  	_ =	shalt  }
0x46: {  	_ =	shalt  }
0x47: {  	_ =	shalt  }
0x48: {  	_ =	shalt  }
0x49: {  	_ =	shalt  }
0x4a: {  	_ =	shalt  }
0x4b: {  	_ =	shalt  }
0x4c: {  	_ =	shalt  }
0x4d: {  	_ =	shalt  }
0x4e: {  	_ =	shalt  }
0x4f: {  	_ =	shalt  }
0x50: {  	_ =	shalt  }
0x51: {  	_ =	shalt  }
0x52: {  	_ =	shalt  }
0x53: {  	_ =	shalt  }
0x54: {  	_ =	shalt  }
0x55: {  	_ =	shalt  }
0x56: {  	_ =	shalt  }
0x57: {  	_ =	shalt  }
0x58: {  	_ =	shalt  }
0x59: {  	_ =	shalt  }
0x5a: {  	_ =	shalt  }
0x5b: {  	_ =	shalt  }
0x5c: {  	_ =	shalt  }
0x5d: {  	_ =	shalt  }
0x5e: {  	_ =	shalt  }
0x5f: {  	_ =	shalt  }
0x60: {  	_ =	shalt  }
0x61: {  	_ =	shalt  }
0x62: {  	_ =	shalt  }
0x63: {  	_ =	shalt  }
0x64: {  	_ =	shalt  }
0x65: {  	_ =	shalt  }
0x66: {  	_ =	shalt  }
0x67: {  	_ =	shalt  }
0x68: {  	_ =	shalt  }
0x69: {  	_ =	shalt  }
0x6a: {  	_ =	shalt  }
0x6b: {  	_ =	shalt  }
0x6c: {  	_ =	shalt  }
0x6d: {  	_ =	shalt  }
0x6e: {  	_ =	shalt  }
0x6f: {  	_ =	shalt  }
0x70: {  	_ =	shalt  }
0x71: {  	_ =	shalt  }
0x72: {  	_ =	shalt  }
0x73: {  	_ =	shalt  }
0x74: {  	_ =	shalt  }
0x75: {  	_ =	shalt  }
0x76: {  	_ =	shalt  }
0x77: {  	_ =	shalt  }
0x78: {  	_ =	shalt  }
0x79: {  	_ =	shalt  }
0x7a: {  	_ =	shalt  }
0x7b: {  	_ =	shalt  }
0x7c: {  	_ =	shalt  }
0x7d: {  	_ =	shalt  }
0x7e: {  	_ =	shalt  }
0x7f: {  	_ =	shalt  }
0x80: {  	_ =	shalt  }
0x81: {  	_ =	shalt  }
0x82: {  	_ =	shalt  }
0x83: {  	_ =	shalt  }
0x84: {  	_ =	shalt  }
0x85: {  	_ =	shalt  }
0x86: {  	_ =	shalt  }
0x87: {  	_ =	shalt  }
.Lfunc_end0:
.L_simem_size_0:
called_computation_lowered:
.L_overlay_start_0:
0x88: {  	s2 =	sld [smem:$0x3FD9]  }
0x89: {  	s3 =	sld [smem:$0x3FFE];
	_ =	sdelay $0x1  }
0x8a: {  	s1 =	srdreg.scid  }
0x8b: {  	s0 =	sand.u32 $0x1, s1  }
0x8c: {  	s16 =	sshll.u32 s0, $0xA;
	s2 =	sadd.s32 s3, s2  }
0x8d: {  	s2 =	sadd.s32 s2, s16  }
0x8e: {  	[smem:$0x3FC4] =	sst s2  }
0x8f: {  	_ = 	snop  }
0x90: {  	(tm) =	ssettm $0x1  }
0x91: {  	s17 =	sld [smem:$0x3FFB];
	_ =	sdelay $0x3  }
0x92: {  	_ =	strace s17  }
0x93: {  	s2 =	sld [smem:$0x3FFC];
	_ =	sdelay $0x3  }
0x94: {  	_ =	strace s2  }
0x95: {  	s2 =	sld [smem:$0x3FFD];
	_ =	sdelay $0x3  }
0x96: {  	_ =	strace s2  }
0x97: {  	_ =	strace $0x8FFFFFFF  }
0x98: {  	s18 =	sld [smem:$0x3FDB];
	_ =	sdelay $0x1  }
0x99: {  	s19 =	simm.s32 $_scs_section_size  }
0x9a: {  	s4 =	simm.s32 $_size__tile_overlayer_lowered;
	s5 =	simm.s32 $_tile_overlayer_lowered  }
0x9b: {  	s22 =	simm.s32 $0x1BFF;
	s21 =	sshll.u32 s5, $0x1;
	s2 =	sadd.s32 s19, s18  }
0x9c: {  	s6 =	simm.s32 $0x0;
	s20 =	sshll.u32 s4, $0x1;
	s4 =	sadd.s32 s21, s2  }
0x9d: {  	[timem:s6], [sflag:s22] =	dma.local [hbm:s4], s20  }
0x9e: {  	_ =	swait.ge [sflag:s22], s20  }
0x9f: {  	s3 =	ssub.s32 $0x0, s20;
	[sflag:s22] =	ssyncset.done $0x0  }
0xa0: {  	[sflag:s22] =	ssyncadd.s32 s3;
	_ =	sdelay $0x1  }
0xa1: {  	s23 =	simm.s32 $0x1B8B  }
0xa2: {  	_ =	swait.ge [sflag:s23], $0x1  }
0xa3: {  	[sflag:s23] =	ssyncset.done $0x0  }
0xa4: {  	s25 =	simm.s32 $0x1B8E;
	s24 =	sld [smem:$0x3FFE];
	[sflag:s23] =	ssyncadd.s32 $0xFFFFFFFF  }
0xa5: {  	s26 =	simm.s32 $execute0_lowered;
	[smem:$0x3FD2] =	sst s25  }
0xa6: {  	s4 =	sshll.u32 s26, $0x1;
	_ =	strace $0x80000046;
	[dreg:$0x1] =	wrdreg $0xFFFFFFFF  }
0xa7: {  	s28 =	simm.s32 $_size_execute0_lowered;
	s2 =	sadd.s32 s2, s4;
	[dreg:$0x0] =	wrdreg $0x0  }
0xa8: {  	s4 =	sshll.u32 s28, $0x1;
	[dreg:$0x2] =	wrdreg s2  }
0xa9: {  	[dreg:$0x3] =	wrdreg s4  }
0xaa: {  	[dreg:$0x4] =	wrdreg $0xC0  }
0xab: {  	_ =	task [dreg:s6], $0x5FFFF  }
0xac: {  	[dreg:$0x1] =	wrdreg $0xFFFFFFFF  }
0xad: {  	[dreg:$0x0] =	wrdreg $0x60  }
0xae: {  	[dreg:$0x2] =	wrdreg s24  }
0xaf: {  	[dreg:$0x3] =	wrdreg $0x28800  }
0xb0: {  	[dreg:$0x4] =	wrdreg $0x9  }
0xb1: {  	_ =	task.clear_ibuf [dreg:s6], $0x5FFFF;
	_ =	strace $0x90000046  }
0xb2: {  	s29 =	simm.s32 $0x9;
	_ =	strace $0x80000048  }
0xb3: {  	_ =	swait.ge [sflag:s29], $0x1  }
0xb4: {  	[sflag:s29] =	ssyncadd.s32 $0xFFFFFFFF  }
0xb5: {  	_ =	strace $0x90000048  }
0xb6: {  	_ =	sfence  }
0xb7: {  	s30 =	sld [smem:$0x0];
	_ =	sdelay $0x2  }
0xb8: {  	s31 =	sshll.u32 s1, $0xD;
	s1 =	sshrl.u32 s1, $0x2  }
0xb9: {  	s3 =	sand.u32 $0x4000, s31;
	s1 =	sadd.s32 s1, s30  }
0xba: {  	s0 =	sor.u32 s3, s0;
	s1 =	sshll.u32 s1, $0x11  }
0xbb: {  	s0 =	sor.u32 s1, s0  }
0xbc: {  	s0 =	sadd.s32 $0x8F2B, s0  }
0xbd: {  	[sflag:s0] =	ssyncadd.remote.s32 $0x1  }
0xbe: {  	_ =	sfence.sel $0xFFFF  }
0xbf: {  	[dreg:$0x0] =	wrdreg $0xFFFFFFFF;
	(pc) =	sbr.abs _section_cstart, $3  }
0xc0: {  	[dreg:$0x1] =	wrdreg $0xFFFFFFFF  }
0xc1: {  	_ =	task.clear_ibuf [dreg:s6], $0x2FFFF;
	_ =	strace $0x9FFFFFFF  }
0xc2: {  	(tm) =	ssettm $0x7FFFFFFF  }
0xc3: {  	_ =	shalt  }
tec
execute0_lowered:
.L_overlay_start_1:
0x0: {  	(tag) =	ssettag $0x1  }
0x1: {  	s7 =	rddreg [dreg:$0x0]  }
0x2: {  	s0 =	srdreg.scid;
	s2 =	rddreg [dreg:$0x1]  }
0x3: {  	s3 =	simm.s32 $0x0;
	s13 =	simm.s32 $0x80;
	s14 =	simm.s32 $0x1  }
0x4: {  	s15 =	simm.s32 $0x20;
	s16 =	simm.s32 $0x10;
	s17 =	simm.s32 $0x0  }
0x5: {  	s6 =	sand.u32 $0x1, s0;
	s0 =	stileid.u32;
	[smem:$0x7FF] =	sst s3  }
0x6: {  	s1 =	sshll.u32 s6, $0x4;
	s5 =	smul.u32 $0x500, s0;
	s9 =	sshll.u32 s6, $0x7  }
0x7: {  	s10 =	smul.u32 $0xA00, s0;
	s6 =	ssub.s32 $0x2, s6;
	s11 =	sshll.u32 s0, $0x6  }
0x8: {  	s4 =	sor.u32 s0, s1;
	s1 =	rddreg [dreg:$0x2];
	_ =	strace $0x80000047  }
0x9: {  	s31 =	sshrl.u32 s6, $0x1;
	s11 =	sor.u32 $0x1C02, s11;
	s4 =	smul.u32 $0x500, s4  }
0xa: {  	s9 =	sor.u32 s9, s5;
	s5 =	sadd.s32 $0xC200, s7;
	s10 =	sshrl.u32 s10, $0x2  }
0xb: {  	s9 =	sshrl.u32 s9, $0x3;
	s12 =	sadd.s32 s10, s2;
	s10 =	simm.s32 $0x2  }
0xc: {  	s8 =	sadd.s32 s4, s7;
	s4 =	sadd.s32 $0xC000, s7;
	s7 =	sadd.s32 s9, s7  }
0xd: {  	s9 =	ssub.s32 s6, s31;
	s12 =	sshrl.u32 s12, $0x3;
	s6 =	sadd.s32 $0x2000, s8  }
0xe: {  	s7 =	sadd.s32 $0xC400, s7;
	s8 =	smax.u32 s9, $0x1;
	s9 =	simm.s32 $0x2800  }
.LBB2_1:
0xf: {  	[tilespmem:s9], [sflag:$0x2] =	stream.linear.gather [hbm4b:s4+s3], $0x80, $0x38;
	[tilespmem:$0x2B00] =	vst v63  }
0x10: {  	_ =	swait.ge [sflag:s10], $0x80  }
0x11: {  	[sflag:s10] =	ssyncset.done $0x0  }
0x12: {  	[sflag:s10] =	ssyncadd.s32 $0xFFFFFF80  }
0x13: {  	[spmem:s12], [sflag:s11] =	dma.local [hbm:s5], $0x50  }
0x14: {  	_ =	swait.ge [sflag:s10], $0x50  }
0x15: {  	[sflag:s10] =	ssyncset.done $0x0  }
0x16: {  	[sflag:s10] =	ssyncadd.s32 $0xFFFFFFB0  }
0x17: {  	[bflag:$0x0] =	sbarrier.arrive $0xFFFF  }
0x18: {  	[tilespmem:s3], [sflag:$0x2] =	stream.linear.gather [hbm4b:s6+s3], $0x2800, $0x38;
	[tilespmem:$0x2B00] =	vst v63  }
0x19: {  	_ =	swait.ge [sflag:s10], $0x2800  }
0x1a: {  	[sflag:s10] =	ssyncset.done $0x0  }
0x1b: {  	s18 =	simm.s32 $0x0;
	[sflag:s10] =	ssyncadd.s32 $0xFFFFD800  }
.LBB2_2:
0x1c: {  	p0 =	sne.s32 s18, $0x9E00  }
.Ltmp0:
0x1d: {  	_ = 	snop;
	(pc) =	sbr.rel @p0 .LBB2_2-.Ltmp0, $3  }
0x1e: {  	_ =	sdelay $0x1  }
0x1f: {  	s19 =	sshra.s32 s18, $0x2;
	s18 =	sadd.s32 $0x200, s18  }
0x20: {  	[spmem:s2] =	stream.indirect.scatter.add.f32 [tilespmem:s9], [sflag:$0x1], $0x1, s19, s13, $0xb8;
	[tilespmem:$0x2B00] =	vst v63  }
0x21: {  	_ =	swait.ge [sflag:s14], $0x80  }
0x22: {  	s18 =	simm.s32 $0x4F;
	[sflag:s14] =	ssyncset.done $0x0  }
.LBB2_4:
0x23: {  	p0 =	sne.s32 s18, $0x1;
	s18 =	sadd.s32 $0xFFFFFFFF, s18;
	[sflag:s14] =	ssyncadd.s32 $0xFFFFFF80  }
.Ltmp1:
0x24: {  	(pc) =	sbr.rel @p0 .LBB2_4-.Ltmp1, $3  }
0x25: {  	_ =	sdelay $0x1  }
0x26: {  	_ =	swait.ge [sflag:s14], $0x80  }
0x27: {  	[sflag:s14] =	ssyncset.done $0x0  }
0x28: {  	s17 =	sadd.s32 $0x1, s17  }
0x29: {  	[sflag:s14] =	ssyncadd.s32 $0xFFFFFF80;
	p0 =	sne.s32 s17, s8  }
.Ltmp2:
0x2a: {  	[bflag:$0x0] =	sbarrier.arrive $0xFFFF;
	(pc) =	sbr.rel @p0 .LBB2_1-.Ltmp2, $4  }
0x2b: {  	[hbm:s7@s15], [sflag:s11] =	dma.strided [spmem:s12@s16], $0x50, s14, $0x10   }
0x2c: {  	_ =	swait.ge [sflag:s10], $0x50  }
0x2d: {  	[sflag:s10] =	ssyncset.done $0x0  }
0x2e: {  	[sflag:s10] =	ssyncadd.s32 $0xFFFFFFB0  }
0x2f: {  	_ =	sfence.sel $0x180000  }
0x30: {  	[bflag:$0x0] =	sbarrier.arrive $0xFFFF  }
0x31: {  	p0 =	sne.s32 s0, $0x0;
	_ =	strace $0x90000047  }
0x32: {  	s0 =	sadd.s32 @!p0 $0x100000, s1;
	[bflag:$0x2] =	sbarrier.arrive $0xFFFF  }
0x33: {  	[sflag:s0] =	ssyncadd.tile.s32 @!p0 $0x1;
	_ =	shalt  }
.Lfunc_end2:
_tile_overlayer_lowered:
.L_overlay_start_2:
0x34: {  	(tag) =	ssettag $0x2  }
0x35: {  	s0 =	rddreg [dreg:$0x0];
	s2 =	stileid.u32  }
0x36: {  	s1 =	rddreg [dreg:$0x1];
	p0 =	sne.s32 s2, $0x0  }
0x37: {  	s3 =	rddreg [dreg:$0x2];
	[bflag:$0x3] =	sbarrier.arrive $0xFFFF;
	s2 =	simm.s32 @!p0 $0x1C02  }
0x38: {  	[timem:s3], [sflag:s2] =	dma.local @!p0 [hbm:s0], s1  }
0x39: {  	s0 =	simm.s32 @!p0 $0x2  }
0x3a: {  	_ =	swait.ge @!p0 [sflag:s0], s1  }
0x3b: {  	s1 =	ssub.s32 @!p0 $0x0, s1;
	[sflag:s0] =	ssyncset.done @!p0 $0x0  }
0x3c: {  	[sflag:s0] =	ssyncadd.s32 @!p0 s1  }
0x3d: {  	[bflag:$0x3] =	sbarrier.arrive $0xFFFF  }
0x3e: {  	_ =	shalt  }

// kernel: kernel.9.cloned.1.call-start
scs
__scs_entry_jumppad:
0x0: {  	(pc) =	sbr.rel $0x88, $3  }
0x1: {  	(tag) =	ssettag $0x0;
	lr =	simm.s32 $0x1  }
0x2: {  	[smem:$0x3F9D] =	sst lr;
	_ =	strace $0xD0000000  }
0x3: {  	_ = 	snop  }
0x4: {  	_ = 	snop  }
0x5: {  	_ = 	snop  }
0x6: {  	_ = 	snop  }
0x7: {  	_ = 	snop  }
__scs_overlays_trampoline_lowered:
0x8: {  	[smem:$0x3FAC] =	sst s0  }
0x9: {  	[smem:$0x3FAD] =	sst s1  }
0xa: {  	[smem:$0x3FAE] =	sst s2  }
0xb: {  	[smem:$0x3FAF] =	sst s3  }
0xc: {  	[smem:$0x3FB0] =	sst s4  }
0xd: {  	[smem:$0x3FB1] =	sst s5  }
0xe: {  	[smem:$0x3FB2] =	sst s6  }
0xf: {  	[smem:$0x3FB3] =	sst s7  }
0x10: {  	[smem:$0x3FB4] =	sst s8  }
0x11: {  	[smem:$0x3FB5] =	sst s9;
	s0 =	simm.s32 @!p0 $0x0  }
0x12: {  	s1 =	sld [smem:$0x3F9B];
	s0 =	simm.s32 @p0 $0x1  }
0x13: {  	[smem:$0x3FB6] =	sst s0;
	s0 =	simm.s32 @!p1 $0x0  }
0x14: {  	s2 =	sld [smem:$0x3F9A];
	s0 =	simm.s32 @p1 $0x1  }
0x15: {  	[smem:$0x3FB7] =	sst s0;
	s0 =	simm.s32 @!p2 $0x0  }
0x16: {  	s3 =	sld [smem:$0x3FDB];
	s0 =	simm.s32 @p2 $0x1  }
0x17: {  	s4 =	simm.s32 $0x1BF5;
	[smem:$0x3FB9] =	sst s0  }
0x18: {  	s0 =	sld [smem:$0x3F9C];
	_ =	swait.ge [sflag:s4], $0x0  }
0x19: {  	s7 =	sld [smem:$0x3F9D]  }
0x1a: {  	s8 =	sadd.s32 $0xFFFFE003, lr  }
0x1b: {  	s9 =	sadd.s32 $0xFFFFFEF7, lr;
	s5 =	simm.s32 $0xFFFFFFFF;
	p2 =	slt.u32 s8, $0xFFFFF086  }
0x1c: {  	p1 =	slt.u32 s9, $0xF7A;
	s5 =	simm.s32 @!p2 $0x0  }
0x1d: {  	s5 =	simm.s32 @p1 $0x1;
	p0 =	seq.s32 s7, s2  }
0x1e: {  	s7 =	smul.u32 @!p0 $0xF7A, s2;
	p2 =	seq.s32 @!p0 s5, $0x0  }
0x1f: {  	s9 =	smul.u32 $0xF7A, s1;
	s8 =	simm.s32 @!p0 $0x1BF5;
	p2 =	por !p2, p0  }
0x20: {  	[sflag:s8] =	ssyncset.s32 @!p0 $0xFFFFF086;
	s6 =	sadd.s32 @!p0 s3, s7;
	s7 =	simm.s32 @!p0 $0x108  }
0x21: {  	s3 =	sadd.s32 s3, s9;
	s6 =	sadd.s32 @!p0 $0x88, s6;
	s7 =	simm.s32 @p2 $0x1082  }
0x22: {  	[simem:s7], [sflag:s8] =	dma.local @!p0 [hbm:s6], $0xF7A  }
0x23: {  	s9 =	sor.u32 $0xD0000000, s2;
	s6 =	simm.s32 $0x108;
	_ =	swait.ge @!p0 [sflag:s8], $0x0  }
0x24: {  	s3 =	sadd.s32 $0x88, s3;
	s6 =	simm.s32 @!p1 $0x1082;
	[sflag:s4] =	ssyncset.s32 $0xFFFFF086  }
0x25: {  	[simem:s6], [sflag:s4] =	dma.local [hbm:s3], $0xF7A  }
0x26: {  	[smem:$0x3F9D] =	sst s1;
	(tag) =	ssettag s2;
	_ =	strace s9  }
0x27: {  	s1 =	sld [smem:$0x3FAD]  }
0x28: {  	s2 =	sld [smem:$0x3FAE]  }
0x29: {  	s4 =	sld [smem:$0x3FB0]  }
0x2a: {  	p0 =	seq.s32 s5, $0x0;
	s5 =	sld [smem:$0x3FB1]  }
0x2b: {  	s6 =	sld [smem:$0x3FB2]  }
0x2c: {  	s7 =	sld [smem:$0x3FB3]  }
0x2d: {  	s3 =	simm.s32 $0x108;
	s8 =	sld [smem:$0x3FB4]  }
0x2e: {  	s3 =	simm.s32 @!p0 $0x1082;
	s9 =	sld [smem:$0x3FB5]  }
0x2f: {  	lr =	sadd.s32 s0, s3;
	s0 =	sld [smem:$0x3FAC]  }
0x30: {  	s3 =	sld [smem:$0x3FAF]  }
0x31: {  	[smem:$0x3FB8] =	sst s10  }
0x32: {  	s10 =	sld [smem:$0x3FB6];
	_ =	sdelay $0x3  }
0x33: {  	p0 =	seq.s32 s10, $0x1;
	s10 =	sld [smem:$0x3FB8];
	_ =	sdelay $0x3  }
0x34: {  	[smem:$0x3FB8] =	sst s10  }
0x35: {  	s10 =	sld [smem:$0x3FB7];
	_ =	sdelay $0x3  }
0x36: {  	p1 =	seq.s32 s10, $0x1;
	s10 =	sld [smem:$0x3FB8];
	_ =	sdelay $0x3  }
0x37: {  	[smem:$0x3FB8] =	sst s10  }
0x38: {  	s10 =	sld [smem:$0x3FB9]  }
0x39: {  	_ = 	snop;
	(pc) =	sbr.ind lr, $3  }
0x3a: {  	_ = 	snop  }
0x3b: {  	_ = 	snop  }
0x3c: {  	p2 =	seq.s32 s10, $0x1;
	s10 =	sld [smem:$0x3FB8]  }
0x3d: {  	_ =	shalt  }
0x3e: {  	_ =	shalt  }
0x3f: {  	_ =	shalt  }
0x40: {  	_ =	shalt  }
0x41: {  	_ =	shalt  }
0x42: {  	_ =	shalt  }
0x43: {  	_ =	shalt  }
0x44: {  	_ =	shalt  }
0x45: {  	_ =	shalt  }
0x46: {  	_ =	shalt  }
0x47: {  	_ =	shalt  }
0x48: {  	_ =	shalt  }
0x49: {  	_ =	shalt  }
0x4a: {  	_ =	shalt  }
0x4b: {  	_ =	shalt  }
0x4c: {  	_ =	shalt  }
0x4d: {  	_ =	shalt  }
0x4e: {  	_ =	shalt  }
0x4f: {  	_ =	shalt  }
0x50: {  	_ =	shalt  }
0x51: {  	_ =	shalt  }
0x52: {  	_ =	shalt  }
0x53: {  	_ =	shalt  }
0x54: {  	_ =	shalt  }
0x55: {  	_ =	shalt  }
0x56: {  	_ =	shalt  }
0x57: {  	_ =	shalt  }
0x58: {  	_ =	shalt  }
0x59: {  	_ =	shalt  }
0x5a: {  	_ =	shalt  }
0x5b: {  	_ =	shalt  }
0x5c: {  	_ =	shalt  }
0x5d: {  	_ =	shalt  }
0x5e: {  	_ =	shalt  }
0x5f: {  	_ =	shalt  }
0x60: {  	_ =	shalt  }
0x61: {  	_ =	shalt  }
0x62: {  	_ =	shalt  }
0x63: {  	_ =	shalt  }
0x64: {  	_ =	shalt  }
0x65: {  	_ =	shalt  }
0x66: {  	_ =	shalt  }
0x67: {  	_ =	shalt  }
0x68: {  	_ =	shalt  }
0x69: {  	_ =	shalt  }
0x6a: {  	_ =	shalt  }
0x6b: {  	_ =	shalt  }
0x6c: {  	_ =	shalt  }
0x6d: {  	_ =	shalt  }
0x6e: {  	_ =	shalt  }
0x6f: {  	_ =	shalt  }
0x70: {  	_ =	shalt  }
0x71: {  	_ =	shalt  }
0x72: {  	_ =	shalt  }
0x73: {  	_ =	shalt  }
0x74: {  	_ =	shalt  }
0x75: {  	_ =	shalt  }
0x76: {  	_ =	shalt  }
0x77: {  	_ =	shalt  }
0x78: {  	_ =	shalt  }
0x79: {  	_ =	shalt  }
0x7a: {  	_ =	shalt  }
0x7b: {  	_ =	shalt  }
0x7c: {  	_ =	shalt  }
0x7d: {  	_ =	shalt  }
0x7e: {  	_ =	shalt  }
0x7f: {  	_ =	shalt  }
0x80: {  	_ =	shalt  }
0x81: {  	_ =	shalt  }
0x82: {  	_ =	shalt  }
0x83: {  	_ =	shalt  }
0x84: {  	_ =	shalt  }
0x85: {  	_ =	shalt  }
0x86: {  	_ =	shalt  }
0x87: {  	_ =	shalt  }
.Lfunc_end0:
.L_simem_size_0:
called_computation.1_lowered:
.L_overlay_start_0:
0x88: {  	s2 =	sld [smem:$0x3FD9]  }
0x89: {  	s3 =	sld [smem:$0x3FFE];
	_ =	sdelay $0x1  }
0x8a: {  	s1 =	srdreg.scid  }
0x8b: {  	s0 =	sand.u32 $0x1, s1  }
0x8c: {  	s17 =	sshll.u32 s0, $0xA;
	s2 =	sadd.s32 s3, s2  }
0x8d: {  	s2 =	sadd.s32 s2, s17  }
0x8e: {  	[smem:$0x3FC4] =	sst s2  }
0x8f: {  	_ = 	snop  }
0x90: {  	s2 =	sld [smem:$0x3FD0];
	(tm) =	ssettm $0x1  }
0x91: {  	s18 =	sld [smem:$0x3FFB];
	_ =	sdelay $0x3  }
0x92: {  	_ =	strace s18  }
0x93: {  	s3 =	sld [smem:$0x3FFC];
	_ =	sdelay $0x3  }
0x94: {  	_ =	strace s3  }
0x95: {  	s3 =	sld [smem:$0x3FFD];
	_ =	sdelay $0x3  }
0x96: {  	_ =	strace s3  }
0x97: {  	_ =	strace $0x8FFFFFFF  }
0x98: {  	s19 =	sld [smem:$0x3FDB];
	_ =	sdelay $0x1  }
0x99: {  	s4 =	simm.s32 $_scs_section_size  }
0x9a: {  	s5 =	simm.s32 $_size__tile_overlayer_lowered;
	s6 =	simm.s32 $_tile_overlayer_lowered  }
0x9b: {  	s22 =	simm.s32 $0x1BFF;
	s21 =	sshll.u32 s6, $0x1;
	s3 =	sadd.s32 s4, s19  }
0x9c: {  	s7 =	simm.s32 $0x0;
	s20 =	sshll.u32 s5, $0x1;
	s5 =	sadd.s32 s21, s3  }
0x9d: {  	[timem:s7], [sflag:s22] =	dma.local [hbm:s5], s20  }
0x9e: {  	_ =	swait.ge [sflag:s22], s20  }
0x9f: {  	s4 =	ssub.s32 $0x0, s20;
	[sflag:s22] =	ssyncset.done $0x0  }
0xa0: {  	[sflag:s22] =	ssyncadd.s32 s4;
	_ =	sdelay $0x1  }
0xa1: {  	s23 =	simm.s32 $0x1B8B  }
0xa2: {  	_ =	swait.ge [sflag:s23], $0x1  }
0xa3: {  	[sflag:s23] =	ssyncset.done $0x0  }
0xa4: {  	s25 =	simm.s32 $0x1B8E;
	s24 =	sld [smem:$0x3FFE];
	[sflag:s23] =	ssyncadd.s32 $0xFFFFFFFF  }
0xa5: {  	s26 =	simm.s32 $execute0_lowered;
	[smem:$0x3FD2] =	sst s25  }
0xa6: {  	s5 =	sshll.u32 s26, $0x1;
	_ =	strace $0x80000049;
	[dreg:$0x1] =	wrdreg $0xFFFFFFFF  }
0xa7: {  	s28 =	simm.s32 $_size_execute0_lowered;
	s3 =	sadd.s32 s3, s5;
	[dreg:$0x0] =	wrdreg $0x0  }
0xa8: {  	s5 =	sshll.u32 s28, $0x1;
	[dreg:$0x2] =	wrdreg s3  }
0xa9: {  	[dreg:$0x3] =	wrdreg s5  }
0xaa: {  	[dreg:$0x4] =	wrdreg $0xC0  }
0xab: {  	_ =	task [dreg:s7], $0x5FFFF  }
0xac: {  	[dreg:$0x1] =	wrdreg $0xFFFFFFFF  }
0xad: {  	[dreg:$0x0] =	wrdreg $0x60  }
0xae: {  	[dreg:$0x2] =	wrdreg s2  }
0xaf: {  	[dreg:$0x3] =	wrdreg s24  }
0xb0: {  	[dreg:$0x4] =	wrdreg $0xA8000  }
0xb1: {  	[dreg:$0x5] =	wrdreg $0x9  }
0xb2: {  	_ =	task.clear_ibuf [dreg:s7], $0x6FFFF;
	_ =	strace $0x90000049  }
0xb3: {  	s29 =	simm.s32 $0x9;
	_ =	strace $0x8000004B  }
0xb4: {  	_ =	swait.ge [sflag:s29], $0x1  }
0xb5: {  	[sflag:s29] =	ssyncadd.s32 $0xFFFFFFFF  }
0xb6: {  	_ =	strace $0x9000004B  }
0xb7: {  	_ =	sfence  }
0xb8: {  	s30 =	sld [smem:$0x0];
	_ =	sdelay $0x2  }
0xb9: {  	s31 =	sshll.u32 s1, $0xD;
	s1 =	sshrl.u32 s1, $0x2  }
0xba: {  	s3 =	sand.u32 $0x4000, s31;
	s1 =	sadd.s32 s1, s30  }
0xbb: {  	s0 =	sor.u32 s3, s0;
	s1 =	sshll.u32 s1, $0x11  }
0xbc: {  	s0 =	sor.u32 s1, s0  }
0xbd: {  	s0 =	sadd.s32 $0x8F2B, s0  }
0xbe: {  	[sflag:s0] =	ssyncadd.remote.s32 $0x1  }
0xbf: {  	_ =	sfence.sel $0xFFFF  }
0xc0: {  	[dreg:$0x0] =	wrdreg $0xFFFFFFFF;
	(pc) =	sbr.abs _section_cstart, $3  }
0xc1: {  	[dreg:$0x1] =	wrdreg $0xFFFFFFFF  }
0xc2: {  	_ =	task.clear_ibuf [dreg:s7], $0x2FFFF;
	_ =	strace $0x9FFFFFFF  }
0xc3: {  	(tm) =	ssettm $0x7FFFFFFF  }
tec
execute0_lowered:
.L_overlay_start_1:
0x0: {  	(tag) =	ssettag $0x1  }
0x1: {  	s11 =	rddreg [dreg:$0x0]  }
0x2: {  	s6 =	rddreg [dreg:$0x1];
	s0 =	srdreg.scid  }
0x3: {  	s2 =	rddreg [dreg:$0x2];
	s1 =	stileid.u32  }
0x4: {  	s3 =	simm.s32 $0x0;
	s16 =	simm.s32 $0x80;
	s17 =	simm.s32 $0x2800  }
0x5: {  	s18 =	simm.s32 $0x6800;
	s19 =	simm.s32 $0x1;
	s20 =	simm.s32 $0x2  }
0x6: {  	s21 =	simm.s32 $0x3;
	s22 =	simm.s32 $0x4;
	s23 =	simm.s32 $0x2700  }
0x7: {  	s24 =	simm.s32 $0x2780;
	s7 =	sand.u32 $0x1, s0;
	s0 =	rddreg [dreg:$0x3]  }
0x8: {  	s25 =	simm.s32 $0x0;
	s5 =	smul.u32 $0x14000, s1;
	[smem:$0x7FF] =	sst s3  }
0x9: {  	s12 =	sadd.s32 $0xCE00, s6;
	s10 =	smul.u32 $0x50000, s1;
	s13 =	sshll.u32 s1, $0x6  }
0xa: {  	s4 =	smul.u32 $0x140000, s7;
	s9 =	ssub.s32 $0x2, s7;
	s7 =	sshll.u32 s7, $0x4  }
0xb: {  	_ =	strace $0x8000004A;
	s30 =	sshrl.u32 s9, $0x1;
	s7 =	sor.u32 s1, s7  }
0xc: {  	s10 =	sshrl.u32 s10, $0x2;
	s8 =	sadd.s32 s5, s4;
	s4 =	sadd.s32 $0x16E00, s6  }
0xd: {  	s5 =	sadd.s32 $0x2000, s6;
	s14 =	smul.u32 $0x2800, s7;
	s8 =	sshrl.u32 s8, $0x3  }
0xe: {  	s9 =	ssub.s32 s9, s30;
	s15 =	sadd.s32 s10, s2;
	s8 =	sadd.s32 s8, s6  }
0xf: {  	s6 =	sor.u32 $0x1C05, s13;
	s31 =	sshrl.u32 s14, $0x3;
	s14 =	simm.s32 $0x5  }
0x10: {  	s7 =	sadd.s32 $0x3EE00, s8;
	s8 =	smax.u32 s9, $0x1;
	s13 =	sadd.s32 $0x280, s31  }
0x11: {  	s9 =	sadd.s32 s11, s31;
	s10 =	sadd.s32 s12, s31;
	s11 =	sadd.s32 s11, s13  }
0x12: {  	s12 =	sadd.s32 s12, s13;
	s13 =	sshrl.u32 s15, $0x3;
	s15 =	simm.s32 $0x1400  }
.LBB2_1:
0x13: {  	[spmem:s13], [sflag:s6] =	dma.local [hbm:s5], $0x2800  }
0x14: {  	_ =	swait.ge [sflag:s14], $0x2800  }
0x15: {  	[sflag:s14] =	ssyncset.done $0x0  }
0x16: {  	[sflag:s14] =	ssyncadd.s32 $0xFFFFD800  }
0x17: {  	[bflag:$0x0] =	sbarrier.arrive $0xFFFF  }
0x18: {  	[tilespmem:s3], [sflag:$0x5] =	stream.linear.gather [hbm4b:s9+s3], $0x1400, $0x38;
	[tilespmem:$0x1E800] =	vst v63  }
0x19: {  	_ =	swait.ge [sflag:s14], $0x1400  }
0x1a: {  	[sflag:s14] =	ssyncset.done $0x0  }
0x1b: {  	[sflag:s14] =	ssyncadd.s32 $0xFFFFEC00  }
0x1c: {  	[tilespmem:s15], [sflag:$0x5] =	stream.linear.gather [hbm4b:s10+s3], $0x1400, $0x38;
	[tilespmem:$0x1E800] =	vst v63  }
0x1d: {  	_ =	swait.ge [sflag:s14], $0x1400  }
0x1e: {  	[sflag:s14] =	ssyncset.done $0x0  }
0x1f: {  	[sflag:s14] =	ssyncadd.s32 $0xFFFFEC00  }
0x20: {  	[tilespmem:s17], [sflag:$0x1] =	stream.indirect.gather [hbm4b:s4+s16], $0x80, s3, s16, $0xb8;
	[tilespmem:$0x1E800] =	vst v63  }
0x21: {  	_ = 	snop  }
0x22: {  	[tilespmem:s18], [sflag:$0x2] =	stream.indirect.gather [hbm4b:s4+s16], $0x80, s16, s16, $0xb8;
	[tilespmem:$0x1E800] =	vst v63  }
0x23: {  	_ =	swait.ge [sflag:s19], $0x4000  }
0x24: {  	[sflag:s19] =	ssyncset.done $0x0  }
0x25: {  	s26 =	simm.s32 $0x1400;
	[sflag:s19] =	ssyncadd.s32 $0xFFFFC000  }
0x26: {  	[spmem:s2] =	stream.indirect.scatter.add.f32 [tilespmem:s17], [sflag:$0x3], $0x80, s26, s16, $0xb8;
	[tilespmem:$0x1E800] =	vst v63  }
0x27: {  	_ =	swait.ge [sflag:s20], $0x4000  }
0x28: {  	[sflag:s20] =	ssyncset.done $0x0  }
0x29: {  	s30 =	simm.s32 $0x1480;
	[sflag:s20] =	ssyncadd.s32 $0xFFFFC000  }
0x2a: {  	[spmem:s2] =	stream.indirect.scatter.add.f32 [tilespmem:s18], [sflag:$0x4], $0x80, s30, s16, $0xb8;
	[tilespmem:$0x1E800] =	vst v63  }
0x2b: {  	_ =	swait.ge [sflag:s21], $0x4000  }
0x2c: {  	[sflag:s21] =	ssyncset.done $0x0  }
0x2d: {  	s31 =	simm.s32 $0x100;
	[sflag:s21] =	ssyncadd.s32 $0xFFFFC000  }
0x2e: {  	[tilespmem:s17], [sflag:$0x1] =	stream.indirect.gather [hbm4b:s4+s16], $0x80, s31, s16, $0xb8;
	[tilespmem:$0x1E800] =	vst v63  }
0x2f: {  	_ =	swait.ge [sflag:s22], $0x4000  }
0x30: {  	[sflag:s22] =	ssyncset.done $0x0  }
0x31: {  	s28 =	simm.s32 $0x180;
	s26 =	simm.s32 $0x400;
	[sflag:s22] =	ssyncadd.s32 $0xFFFFC000  }
.LBB2_2:
0x32: {  	[tilespmem:s18], [sflag:$0x2] =	stream.indirect.gather [hbm4b:s4+s16], $0x80, s28, s16, $0xb8;
	[tilespmem:$0x1E800] =	vst v63  }
0x33: {  	s28 =	smov.u32 s26  }
0x34: {  	p0 =	sne.s32 s26, $0x4800;
	s26 =	sadd.s32 $0x400, s26;
	_ =	swait.ge [sflag:s19], $0x4000  }
0x35: {  	s28 =	sshra.s32 s28, $0x2;
	[sflag:s19] =	ssyncset.done $0x0  }
0x36: {  	s29 =	sadd.s32 $0x1400, s28;
	[sflag:s19] =	ssyncadd.s32 $0xFFFFC000  }
0x37: {  	[spmem:s2] =	stream.indirect.scatter.add.f32 [tilespmem:s17], [sflag:$0x3], $0x80, s29, s16, $0xb8;
	[tilespmem:$0x1E800] =	vst v63  }
0x38: {  	_ =	swait.ge [sflag:s20], $0x4000  }
0x39: {  	[sflag:s20] =	ssyncset.done $0x0  }
0x3a: {  	s29 =	sadd.s32 $0x1480, s28;
	[sflag:s20] =	ssyncadd.s32 $0xFFFFC000  }
0x3b: {  	[spmem:s2] =	stream.indirect.scatter.add.f32 [tilespmem:s18], [sflag:$0x4], $0x80, s29, s16, $0xb8;
	[tilespmem:$0x1E800] =	vst v63  }
0x3c: {  	_ =	swait.ge [sflag:s21], $0x4000  }
0x3d: {  	[sflag:s21] =	ssyncset.done $0x0  }
.Ltmp0:
0x3e: {  	s29 =	sadd.s32 $0x100, s28;
	[sflag:s21] =	ssyncadd.s32 $0xFFFFC000;
	(pc) =	sbr.rel @p0 .LBB2_2-.Ltmp0, $4  }
0x3f: {  	[tilespmem:s17], [sflag:$0x1] =	stream.indirect.gather [hbm4b:s4+s16], $0x80, s29, s16, $0xb8;
	[tilespmem:$0x1E800] =	vst v63  }
0x40: {  	_ =	swait.ge [sflag:s22], $0x4000  }
0x41: {  	[sflag:s22] =	ssyncset.done $0x0  }
0x42: {  	s28 =	sadd.s32 $0x180, s28;
	[sflag:s22] =	ssyncadd.s32 $0xFFFFC000  }
0x43: {  	[tilespmem:s18], [sflag:$0x2] =	stream.indirect.gather [hbm4b:s4+s16], $0x80, s28, s16, $0xb8;
	[tilespmem:$0x1E800] =	vst v63  }
0x44: {  	_ =	swait.ge [sflag:s19], $0x4000  }
0x45: {  	[sflag:s19] =	ssyncset.done $0x0  }
0x46: {  	[sflag:s19] =	ssyncadd.s32 $0xFFFFC000  }
0x47: {  	[spmem:s2] =	stream.indirect.scatter.add.f32 [tilespmem:s17], [sflag:$0x3], $0x80, s23, s16, $0xb8;
	[tilespmem:$0x1E800] =	vst v63  }
0x48: {  	_ =	swait.ge [sflag:s20], $0x4000  }
0x49: {  	[sflag:s20] =	ssyncset.done $0x0  }
0x4a: {  	[sflag:s20] =	ssyncadd.s32 $0xFFFFC000  }
0x4b: {  	[spmem:s2] =	stream.indirect.scatter.add.f32 [tilespmem:s18], [sflag:$0x4], $0x80, s24, s16, $0xb8;
	[tilespmem:$0x1E800] =	vst v63  }
0x4c: {  	_ =	swait.ge [sflag:s21], $0x4000  }
0x4d: {  	[sflag:s21] =	ssyncset.done $0x0  }
0x4e: {  	[sflag:s21] =	ssyncadd.s32 $0xFFFFC000  }
0x4f: {  	_ =	swait.ge [sflag:s22], $0x4000  }
0x50: {  	[sflag:s22] =	ssyncset.done $0x0  }
0x51: {  	s26 =	simm.s32 $0x0;
	[sflag:s22] =	ssyncadd.s32 $0xFFFFC000  }
0x52: {  	[tilespmem:s26], [sflag:$0x5] =	stream.linear.gather [hbm4b:s11+s26], $0x1400, $0x38;
	[tilespmem:$0x1E800] =	vst v63  }
0x53: {  	_ =	swait.ge [sflag:s14], $0x1400  }
0x54: {  	[sflag:s14] =	ssyncset.done $0x0  }
0x55: {  	[sflag:s14] =	ssyncadd.s32 $0xFFFFEC00  }
0x56: {  	[tilespmem:s15], [sflag:$0x5] =	stream.linear.gather [hbm4b:s12+s26], $0x1400, $0x38;
	[tilespmem:$0x1E800] =	vst v63  }
0x57: {  	_ =	swait.ge [sflag:s14], $0x1400  }
0x58: {  	[sflag:s14] =	ssyncset.done $0x0  }
0x59: {  	[sflag:s14] =	ssyncadd.s32 $0xFFFFEC00  }
0x5a: {  	[tilespmem:s17], [sflag:$0x1] =	stream.indirect.gather [hbm4b:s4+s16], $0x80, s26, s16, $0xb8;
	[tilespmem:$0x1E800] =	vst v63  }
0x5b: {  	_ = 	snop  }
0x5c: {  	[tilespmem:s18], [sflag:$0x2] =	stream.indirect.gather [hbm4b:s4+s16], $0x80, s16, s16, $0xb8;
	[tilespmem:$0x1E800] =	vst v63  }
0x5d: {  	_ =	swait.ge [sflag:s19], $0x4000  }
0x5e: {  	[sflag:s19] =	ssyncset.done $0x0  }
0x5f: {  	s29 =	simm.s32 $0x1400;
	[sflag:s19] =	ssyncadd.s32 $0xFFFFC000  }
0x60: {  	[spmem:s2] =	stream.indirect.scatter.add.f32 [tilespmem:s17], [sflag:$0x3], $0x80, s29, s16, $0xb8;
	[tilespmem:$0x1E800] =	vst v63  }
0x61: {  	_ =	swait.ge [sflag:s20], $0x4000  }
0x62: {  	[sflag:s20] =	ssyncset.done $0x0  }
0x63: {  	s30 =	simm.s32 $0x1480;
	[sflag:s20] =	ssyncadd.s32 $0xFFFFC000  }
0x64: {  	[spmem:s2] =	stream.indirect.scatter.add.f32 [tilespmem:s18], [sflag:$0x4], $0x80, s30, s16, $0xb8;
	[tilespmem:$0x1E800] =	vst v63  }
0x65: {  	_ =	swait.ge [sflag:s21], $0x4000  }
0x66: {  	[sflag:s21] =	ssyncset.done $0x0  }
0x67: {  	s31 =	simm.s32 $0x100;
	[sflag:s21] =	ssyncadd.s32 $0xFFFFC000  }
0x68: {  	[tilespmem:s17], [sflag:$0x1] =	stream.indirect.gather [hbm4b:s4+s16], $0x80, s31, s16, $0xb8;
	[tilespmem:$0x1E800] =	vst v63  }
0x69: {  	_ =	swait.ge [sflag:s22], $0x4000  }
0x6a: {  	[sflag:s22] =	ssyncset.done $0x0  }
0x6b: {  	s28 =	simm.s32 $0x180;
	s26 =	simm.s32 $0x400;
	[sflag:s22] =	ssyncadd.s32 $0xFFFFC000  }
.LBB2_4:
0x6c: {  	[tilespmem:s18], [sflag:$0x2] =	stream.indirect.gather [hbm4b:s4+s16], $0x80, s28, s16, $0xb8;
	[tilespmem:$0x1E800] =	vst v63  }
0x6d: {  	s28 =	smov.u32 s26  }
0x6e: {  	p0 =	sne.s32 s26, $0x4800;
	s26 =	sadd.s32 $0x400, s26;
	_ =	swait.ge [sflag:s19], $0x4000  }
0x6f: {  	s28 =	sshra.s32 s28, $0x2;
	[sflag:s19] =	ssyncset.done $0x0  }
0x70: {  	s29 =	sadd.s32 $0x1400, s28;
	[sflag:s19] =	ssyncadd.s32 $0xFFFFC000  }
0x71: {  	[spmem:s2] =	stream.indirect.scatter.add.f32 [tilespmem:s17], [sflag:$0x3], $0x80, s29, s16, $0xb8;
	[tilespmem:$0x1E800] =	vst v63  }
0x72: {  	_ =	swait.ge [sflag:s20], $0x4000  }
0x73: {  	[sflag:s20] =	ssyncset.done $0x0  }
0x74: {  	s29 =	sadd.s32 $0x1480, s28;
	[sflag:s20] =	ssyncadd.s32 $0xFFFFC000  }
0x75: {  	[spmem:s2] =	stream.indirect.scatter.add.f32 [tilespmem:s18], [sflag:$0x4], $0x80, s29, s16, $0xb8;
	[tilespmem:$0x1E800] =	vst v63  }
0x76: {  	_ =	swait.ge [sflag:s21], $0x4000  }
0x77: {  	[sflag:s21] =	ssyncset.done $0x0  }
.Ltmp1:
0x78: {  	s29 =	sadd.s32 $0x100, s28;
	[sflag:s21] =	ssyncadd.s32 $0xFFFFC000;
	(pc) =	sbr.rel @p0 .LBB2_4-.Ltmp1, $4  }
0x79: {  	[tilespmem:s17], [sflag:$0x1] =	stream.indirect.gather [hbm4b:s4+s16], $0x80, s29, s16, $0xb8;
	[tilespmem:$0x1E800] =	vst v63  }
0x7a: {  	_ =	swait.ge [sflag:s22], $0x4000  }
0x7b: {  	[sflag:s22] =	ssyncset.done $0x0  }
0x7c: {  	s28 =	sadd.s32 $0x180, s28;
	[sflag:s22] =	ssyncadd.s32 $0xFFFFC000  }
0x7d: {  	[tilespmem:s18], [sflag:$0x2] =	stream.indirect.gather [hbm4b:s4+s16], $0x80, s28, s16, $0xb8;
	[tilespmem:$0x1E800] =	vst v63  }
0x7e: {  	_ =	swait.ge [sflag:s19], $0x4000  }
0x7f: {  	[sflag:s19] =	ssyncset.done $0x0  }
0x80: {  	[sflag:s19] =	ssyncadd.s32 $0xFFFFC000  }
0x81: {  	[spmem:s2] =	stream.indirect.scatter.add.f32 [tilespmem:s17], [sflag:$0x3], $0x80, s23, s16, $0xb8;
	[tilespmem:$0x1E800] =	vst v63  }
0x82: {  	_ =	swait.ge [sflag:s20], $0x4000  }
0x83: {  	[sflag:s20] =	ssyncset.done $0x0  }
0x84: {  	[sflag:s20] =	ssyncadd.s32 $0xFFFFC000  }
0x85: {  	[spmem:s2] =	stream.indirect.scatter.add.f32 [tilespmem:s18], [sflag:$0x4], $0x80, s24, s16, $0xb8;
	[tilespmem:$0x1E800] =	vst v63  }
0x86: {  	_ =	swait.ge [sflag:s21], $0x4000  }
0x87: {  	[sflag:s21] =	ssyncset.done $0x0  }
0x88: {  	[sflag:s21] =	ssyncadd.s32 $0xFFFFC000  }
0x89: {  	_ =	swait.ge [sflag:s22], $0x4000  }
0x8a: {  	s25 =	sadd.s32 $0x1, s25;
	[sflag:s22] =	ssyncset.done $0x0  }
0x8b: {  	p0 =	sne.s32 s25, s8;
	[sflag:s22] =	ssyncadd.s32 $0xFFFFC000  }
.Ltmp2:
0x8c: {  	[bflag:$0x0] =	sbarrier.arrive $0xFFFF;
	(pc) =	sbr.rel @p0 .LBB2_1-.Ltmp2, $4  }
0x8d: {  	[hbm:s7], [sflag:s6] =	dma.local [spmem:s13], $0x2800  }
0x8e: {  	_ =	swait.ge [sflag:s14], $0x2800  }
0x8f: {  	[sflag:s14] =	ssyncset.done $0x0  }
0x90: {  	[sflag:s14] =	ssyncadd.s32 $0xFFFFD800  }
0x91: {  	_ =	sfence.sel $0x180000  }
0x92: {  	[bflag:$0x0] =	sbarrier.arrive $0xFFFF  }
0x93: {  	p0 =	sne.s32 s1, $0x0;
	_ =	strace $0x9000004A  }
0x94: {  	s0 =	sadd.s32 @!p0 $0x100000, s0;
	[bflag:$0x2] =	sbarrier.arrive $0xFFFF  }
0x95: {  	[sflag:s0] =	ssyncadd.tile.s32 @!p0 $0x1;
	_ =	shalt  }
.Lfunc_end2:
_tile_overlayer_lowered:
.L_overlay_start_2:
0x96: {  	(tag) =	ssettag $0x2  }
0x97: {  	s0 =	rddreg [dreg:$0x0];
	s2 =	stileid.u32  }
0x98: {  	s1 =	rddreg [dreg:$0x1];
	p0 =	sne.s32 s2, $0x0  }
0x99: {  	s3 =	rddreg [dreg:$0x2];
	[bflag:$0x3] =	sbarrier.arrive $0xFFFF;
	s2 =	simm.s32 @!p0 $0x1C05  }
0x9a: {  	[timem:s3], [sflag:s2] =	dma.local @!p0 [hbm:s0], s1  }
0x9b: {  	s0 =	simm.s32 @!p0 $0x5  }
0x9c: {  	_ =	swait.ge @!p0 [sflag:s0], s1  }
0x9d: {  	s1 =	ssub.s32 @!p0 $0x0, s1;
	[sflag:s0] =	ssyncset.done @!p0 $0x0  }
0x9e: {  	[sflag:s0] =	ssyncadd.s32 @!p0 s1  }
0x9f: {  	[bflag:$0x3] =	sbarrier.arrive $0xFFFF  }
0xa0: {  	_ =	shalt  }

</sc_bundles>
